<compile_context>
chip_gen: v7x
topology: tpu7x:2x2x1
jax: 0.10.2.dev20260603
libtpu: 0.0.44.dev20260713+nightly
codegen_flags: <defaults>
</compile_context>

<pallas_src>
import functools

import jax
import jax.numpy as jnp
from jax import lax
from jax.experimental import pallas as pl
from jax.experimental.pallas import tpu as pltpu
from jax.experimental.pallas import tpu_sc as plsc

_INFO = plsc.get_sparse_core_info()
_NC, _NS, _L = _INFO.num_cores, _INFO.num_subcores, _INFO.num_lanes
_NW = _NC * _NS


def _wid():
    return lax.axis_index("s") * _NC + lax.axis_index("c")


def _mesh():
    return plsc.VectorSubcoreMesh(core_axis_name="c", subcore_axis_name="s")


def _make_gather_tag(n, d, b, tagsh):
    bw = b // _NW
    tagn = tagsh * _NW

    @functools.partial(
        pl.kernel,
        mesh=_mesh(),
        out_type=(
            jax.ShapeDtypeStruct((b, d), jnp.float32),
            jax.ShapeDtypeStruct((tagn,), jnp.int32),
        ),
        scratch_types=[
            pltpu.VMEM((bw,), jnp.int32),
            pltpu.VMEM((bw, d), jnp.float32),
            pltpu.VMEM((b,), jnp.int32),
            pltpu.VMEM((tagsh,), jnp.int32),
            pltpu.SemaphoreType.DMA,
        ],
        compiler_params=pltpu.CompilerParams(
            use_tc_tiling_on_sc=False, needs_layout_passes=False
        ),
    )
    def k(table, idx, rows_out, tag, idx_v, rows_v, ids_v, t_v, sem):
        w = _wid()
        base = w * bw
        pltpu.sync_copy(idx.at[pl.ds(base, bw)], idx_v)
        gat = pltpu.make_async_copy(table.at[idx_v], rows_v, sem)
        gat.start()

        lo = w * tagsh
        pltpu.sync_copy(idx, ids_v)
        lane = lax.iota(jnp.int32, _L)
        nxt_idx = jnp.minimum(lane + 1, _L - 1)

        def step(j, carry):
            v = ids_v[pl.ds(j * _L, _L)]
            fused = v * _L + lane
            pos = lane + j * _L
            sk, sv = plsc.sort_key_val(fused, pos)
            sid = lax.shift_right_logical(sk, 4)
            nxt = lax.gather(
                sid, nxt_idx[:, None],
                lax.GatherDimensionNumbers(
                    offset_dims=(), collapsed_slice_dims=(0,),
                    start_index_map=(0,)),
                slice_sizes=(1,),
                mode=lax.GatherScatterMode.PROMISE_IN_BOUNDS)
            is_last = (sid != nxt) | (lane == _L - 1)
            inr = (sid >= lo) & (sid < lo + tagsh)
            plsc.store_scatter(t_v, [sid - lo], sv, mask=is_last & inr)
            return carry

        lax.fori_loop(0, b // _L, step, 0)
        pltpu.sync_copy(t_v, tag.at[pl.ds(lo, tagsh)])

        gat.wait()
        pltpu.sync_copy(rows_v, rows_out.at[pl.ds(base, bw)])

    return k


def _gru_body(x_ref, h_ref, wih_ref, whh_ref, bih_ref, bhh_ref, o_ref):
    x = x_ref[...]
    h = h_ref[...]
    dn = (((1,), (1,)), ((), ()))
    gi = lax.dot_general(x, wih_ref[...], dn, preferred_element_type=jnp.float32)
    gi = gi + bih_ref[...]
    gh = lax.dot_general(h, whh_ref[...], dn, preferred_element_type=jnp.float32)
    gh = gh + bhh_ref[...]
    d = x.shape[1]
    r = jax.nn.sigmoid(gi[:, :d] + gh[:, :d])
    z = jax.nn.sigmoid(gi[:, d : 2 * d] + gh[:, d : 2 * d])
    n = jnp.tanh(gi[:, 2 * d :] + r * gh[:, 2 * d :])
    o_ref[...] = (1.0 - z) * n + z * h


def _make_gru(b, d, blk):
    grid = b // blk
    return pl.pallas_call(
        _gru_body,
        grid=(grid,),
        in_specs=[
            pl.BlockSpec((blk, d), lambda i: (i, 0)),
            pl.BlockSpec((blk, d), lambda i: (i, 0)),
            pl.BlockSpec((3 * d, d), lambda i: (0, 0)),
            pl.BlockSpec((3 * d, d), lambda i: (0, 0)),
            pl.BlockSpec((1, 3 * d), lambda i: (0, 0)),
            pl.BlockSpec((1, 3 * d), lambda i: (0, 0)),
        ],
        out_specs=pl.BlockSpec((blk, d), lambda i: (i, 0)),
        out_shape=jax.ShapeDtypeStruct((b, d), jnp.float32),
    )


def _make_copy_scatter(n, d, b, tagsh, ch, sch):
    rw = n // _NW
    n_chunks = (rw + ch - 1) // ch

    @functools.partial(
        pl.kernel,
        mesh=_mesh(),
        out_type=jax.ShapeDtypeStruct((n, d), jnp.float32),
        compiler_params=pltpu.CompilerParams(
            use_tc_tiling_on_sc=False, needs_layout_passes=False
        ),
    )
    def k(table, idx, tag, news, out):
        w = _wid()
        r0 = w * rw

        nb = 5
        assert rw % ch == 0 and n_chunks % nb == 0

        def phase_a(bufs, rsems, wsems):
            def rd(c, i):
                pltpu.make_async_copy(
                    table.at[pl.ds(r0 + c * ch, ch)], bufs[i], rsems[i]
                ).start()

            def rd_wait(c, i):
                pltpu.make_async_copy(
                    table.at[pl.ds(r0 + c * ch, ch)], bufs[i], rsems[i]
                ).wait()

            def wr(c, i):
                pltpu.make_async_copy(
                    bufs[i], out.at[pl.ds(r0 + c * ch, ch)], wsems[i]
                ).start()

            def wr_wait(c, i):
                pltpu.make_async_copy(
                    bufs[i], out.at[pl.ds(r0 + c * ch, ch)], wsems[i]
                ).wait()

            for i in range(nb):
                rd(i, i)

            def group(g, carry):
                c0 = g * nb
                for i in range(nb):
                    rd_wait(c0 + i, i)
                    wr(c0 + i, i)
                    wr_wait(c0 + i, i)
                    rd(c0 + nb + i, i)
                return carry

            lax.fori_loop(0, n_chunks // nb - 1, group, 0)
            c0 = n_chunks - nb
            for i in range(nb):
                rd_wait(c0 + i, i)
                wr(c0 + i, i)
            for i in range(nb):
                wr_wait(c0 + i, i)

        pl.run_scoped(
            phase_a,
            [pltpu.VMEM((ch, d), jnp.float32) for _ in range(nb)],
            [pltpu.SemaphoreType.DMA for _ in range(nb)],
            [pltpu.SemaphoreType.DMA for _ in range(nb)],
        )

        def phase_b(ids_v, cidx, idxb, wv, vals, sem2):
            hi = r0 + rw
            pltpu.sync_copy(idx, ids_v)
            ids0 = ids_v[pl.ds(0, _L)][0]

            def cstep(j, off):
                v = ids_v[pl.ds(j * _L, _L)]
                m = (v >= r0) & (v < hi)
                plsc.store_compressed(cidx.at[pl.ds(off, _L)], v, mask=m)
                cnt = jnp.max(plsc.all_reduce_population_count(m))
                return off + cnt

            kcnt = lax.fori_loop(0, b // _L, cstep, 0)
            rounds = (kcnt + sch - 1) // sch
            end = rounds * sch

            lane = lax.iota(jnp.int32, _L)
            a0 = (kcnt // _L) * _L
            cur = cidx[pl.ds(a0, _L)]
            cidx[pl.ds(a0, _L)] = jnp.where(lane < (kcnt - a0), cur, ids0)

            def pad_body(off):
                cidx[pl.ds(off, _L)] = jnp.full((_L,), ids0, jnp.int32)
                return off + _L

            lax.while_loop(lambda off: off < end, pad_body, a0 + _L)

            def sstep(c, carry):
                def mv(t, carry2):
                    idxb[pl.ds(t * _L, _L)] = cidx[pl.ds(c * sch + t * _L, _L)]
                    return carry2

                lax.fori_loop(0, sch // _L, mv, 0)
                pltpu.async_copy(tag.at[idxb], wv, sem2).wait()
                pltpu.async_copy(news.at[wv], vals, sem2).wait()
                pltpu.async_copy(vals, out.at[idxb], sem2).wait()
                return carry

            lax.fori_loop(0, rounds, sstep, 0)

        pl.run_scoped(
            phase_b,
            pltpu.VMEM((b,), jnp.int32),
            pltpu.VMEM((b + _L,), jnp.int32),
            pltpu.VMEM((sch,), jnp.int32),
            pltpu.VMEM((sch,), jnp.int32),
            pltpu.VMEM((sch, d), jnp.float32),
            pltpu.SemaphoreType.DMA,
        )

    return k


def kernel(node_ids, messages, memory, W_ih, W_hh, b_ih, b_hh):
    n, d = memory.shape
    b = node_ids.shape[0]
    ids = node_ids.astype(jnp.int32)

    tagsh = ((n + _NW - 1) // _NW + 7) // 8 * 8
    current, tag = _make_gather_tag(n, d, b, tagsh)(memory, ids)
    new_state = _make_gru(b, d, 2048)(
        messages, current, W_ih, W_hh,
        b_ih.reshape(1, 3 * d), b_hh.reshape(1, 3 * d),
    )
    out = _make_copy_scatter(n, d, b, tagsh, 125, 512)(memory, ids, tag, new_state)
    return out

# --- scband reference (transcript-rebuilt; emitter-appended) ---
"""Pipeline reference for scband-memory-module-72112500900108 (READ-ONLY COPY).

The authoritative reference and input builder live on the scoring server;
editing this copy changes nothing except your own understanding.
"""

import jax, jax.numpy as jnp
import numpy as np

NUM_NODES = 1000000
DIM = 64
BATCH = 16384


def gru_cell(x, h, W_ih, W_hh, b_ih, b_hh):
    # Faithful torch.nn.GRUCell math
    gi = x @ W_ih.T + b_ih
    gh = h @ W_hh.T + b_hh
    i_r, i_z, i_n = jnp.split(gi, 3, axis=-1)
    h_r, h_z, h_n = jnp.split(gh, 3, axis=-1)
    r = jax.nn.sigmoid(i_r + h_r)
    z = jax.nn.sigmoid(i_z + h_z)
    n = jnp.tanh(i_n + r * h_n)
    return (1.0 - z) * n + z * h


def setup_inputs(seed: int = 0) -> dict:
    key = jax.random.key(seed)
    ks = jax.random.split(key, 8)
    node_ids = jax.random.randint(ks[0], (BATCH,), 0, NUM_NODES, dtype=jnp.int64 if jax.config.jax_enable_x64 else jnp.int32)
    messages = jax.random.normal(ks[1], (BATCH, DIM), dtype=jnp.float32)
    # memory is zero-initialized in the torch module; use small random values so the
    # gather/GRU/scatter path is numerically non-degenerate
    memory = 0.1 * jax.random.normal(ks[2], (NUM_NODES, DIM), dtype=jnp.float32)
    s = 1.0 / np.sqrt(DIM)
    W_ih = jax.random.uniform(ks[3], (3 * DIM, DIM), minval=-s, maxval=s, dtype=jnp.float32)
    W_hh = jax.random.uniform(ks[4], (3 * DIM, DIM), minval=-s, maxval=s, dtype=jnp.float32)
    b_ih = jax.random.uniform(ks[5], (3 * DIM,), minval=-s, maxval=s, dtype=jnp.float32)
    b_hh = jax.random.uniform(ks[6], (3 * DIM,), minval=-s, maxval=s, dtype=jnp.float32)
    return {"node_ids": node_ids, "messages": messages, "memory": memory,
            "W_ih": W_ih, "W_hh": W_hh, "b_ih": b_ih, "b_hh": b_hh}


def reference(node_ids, messages, memory, W_ih, W_hh, b_ih, b_hh):
    # update_memory: gather current state, run GRUCell, scatter-overwrite new state
    current = jnp.take(memory, node_ids, axis=0)
    new_state = gru_cell(messages, current, W_ih, W_hh, b_ih, b_hh)
    updated_memory = memory.at[node_ids].set(new_state)
    return updated_memory

if __name__ == "__main__":
    import jax
    _d = setup_inputs()
    print(jax.jit(kernel)(*tuple(_d.values())))

</pallas_src>

<mosaic_0001>
#map = affine_map<(d0, d1) -> (0, 0)>
#map1 = affine_map<(d0, d1) -> (0)>
module attributes {stable_mosaic.version = 14 : i64} {
  func.func @k(%arg0: i32, %arg1: i32, %arg2: memref<1000000x64xf32, #tpu.memory_space<hbm>>, %arg3: memref<16384xi32, #tpu.memory_space<hbm>>, %arg4: memref<16384x64xf32, #tpu.memory_space<hbm>>, %arg5: memref<1000192xi32, #tpu.memory_space<hbm>>, %arg6: memref<512xi32, #tpu.memory_space<vmem>>, %arg7: memref<512x64xf32, #tpu.memory_space<vmem>>, %arg8: memref<16384xi32, #tpu.memory_space<vmem>>, %arg9: memref<31256xi32, #tpu.memory_space<vmem>>, %arg10: memref<!tpu.dma_semaphore, #tpu.memory_space<semaphore_mem>>) attributes {dimension_semantics = [#tpu.dimension_semantics<core_parallel>, #tpu.dimension_semantics<subcore_parallel>], iteration_bounds = array<i64: 2, 16>, scalar_prefetch = 0 : i64, scratch_operands = 5 : i64, tpu.core_type = #tpu.core_type<sc_vector_subcore>, window_params = [{transform_indices = #map}, {transform_indices = #map1}, {transform_indices = #map}, {transform_indices = #map1}]} {
    %mul3A = arith.constant 2 : i32
    %mul3A_0 = arith.muli %arg1, %mul3A : i32
    %add3A = arith.addi %mul3A_0, %arg0 : i32
    %mul3A_1 = arith.constant 512 : i32
    %mul3A_2 = arith.muli %add3A, %mul3A_1 : i32
    "tpu.region"() ({
      %run_scoped3A = tpu.sem_alloc : memref<!tpu.dma_semaphore, #tpu.memory_space<semaphore_mem>>
      %dma_start3A_19 = tpu.memref_slice %arg3[%mul3A_2] : memref<16384xi32, #tpu.memory_space<hbm>> -> memref<512xi32, #tpu.memory_space<hbm>>
      %dma_start3A_20 = tpu.memref_slice %arg3[%mul3A_2] : memref<16384xi32, #tpu.memory_space<hbm>> -> memref<512xi32, #tpu.memory_space<hbm>>
      tpu.enqueue_dma source(%dma_start3A_20 : memref<512xi32, #tpu.memory_space<hbm>>) target(%arg6 : memref<512xi32, #tpu.memory_space<vmem>>) target_semaphore(%run_scoped3A : memref<!tpu.dma_semaphore, #tpu.memory_space<semaphore_mem>>)
      %dma_wait3A_21 = tpu.memref_slice %arg3[%mul3A_2] : memref<16384xi32, #tpu.memory_space<hbm>> -> memref<512xi32, #tpu.memory_space<hbm>>
      %dma_wait3A_22 = tpu.memref_slice %arg3[%mul3A_2] : memref<16384xi32, #tpu.memory_space<hbm>> -> memref<512xi32, #tpu.memory_space<hbm>>
      tpu.wait_dma2 semaphore(%run_scoped3A : memref<!tpu.dma_semaphore, #tpu.memory_space<semaphore_mem>>) src(%dma_wait3A_22 : memref<512xi32, #tpu.memory_space<hbm>>) dst(%arg6 : memref<512xi32, #tpu.memory_space<vmem>>)
      tpu.yield
    }) : () -> ()
    %dma_start3A = arith.constant 0 : i32
    %dma_start3A_3 = arith.constant 0 : i32
    %dma_start3A_4 = tpu.memref_slice %arg2[%dma_start3A, %dma_start3A_3] : memref<1000000x64xf32, #tpu.memory_space<hbm>> -> memref<1000000x64xf32, #tpu.memory_space<hbm>>
    tpu.enqueue_indirect_dma source(%dma_start3A_4 : memref<1000000x64xf32, #tpu.memory_space<hbm>>) target(%arg7 : memref<512x64xf32, #tpu.memory_space<vmem>>) offsets(%arg6 : memref<512xi32, #tpu.memory_space<vmem>>) semaphore(%arg10 : memref<!tpu.dma_semaphore, #tpu.memory_space<semaphore_mem>>)
    %mul3A_5 = arith.constant 31256 : i32
    %mul3A_6 = arith.muli %add3A, %mul3A_5 : i32
    "tpu.region"() ({
      %run_scoped3A = tpu.sem_alloc : memref<!tpu.dma_semaphore, #tpu.memory_space<semaphore_mem>>
      tpu.enqueue_dma source(%arg3 : memref<16384xi32, #tpu.memory_space<hbm>>) target(%arg8 : memref<16384xi32, #tpu.memory_space<vmem>>) target_semaphore(%run_scoped3A : memref<!tpu.dma_semaphore, #tpu.memory_space<semaphore_mem>>)
      tpu.wait_dma2 semaphore(%run_scoped3A : memref<!tpu.dma_semaphore, #tpu.memory_space<semaphore_mem>>) src(%arg3 : memref<16384xi32, #tpu.memory_space<hbm>>) dst(%arg8 : memref<16384xi32, #tpu.memory_space<vmem>>)
      tpu.yield
    }) : () -> ()
    %iota3A = tpu.iota {dimensions = array<i32: 0>} : vector<16xi32>
    %add3A_7 = arith.constant 1 : i32
    %add3A_8 = vector.broadcast %add3A_7 : i32 to vector<16xi32>
    %add3A_9 = arith.addi %iota3A, %add3A_8 : vector<16xi32>
    %min3A = arith.constant 15 : i32
    %min3A_10 = vector.broadcast %min3A : i32 to vector<16xi32>
    %min3A_11 = arith.minsi %add3A_9, %min3A_10 : vector<16xi32>
    %scan3A = arith.constant 0 : i32
    %scan3A_12 = arith.constant 0 : i32
    %scan3A_13 = arith.constant 1024 : i32
    %scan3A_14 = arith.addi %scan3A_12, %scan3A_13 : i32
    %scan3A_15 = arith.constant 1 : i32
    scf.for %scan3A_19 = %scan3A_12 to %scan3A_14 step %scan3A_15  : i32 {
      %mul3A_20 = arith.constant 16 : i32
      %mul3A_21 = arith.muli %scan3A_19, %mul3A_20 : i32
      %get3A = arith.index_cast %mul3A_21 : i32 to index
      %get3A_22 = tpu.vector_load %arg8[%get3A] {strides = array<i32>} : memref<16384xi32, #tpu.memory_space<vmem>>, vector<16xi32>,
      %mul3A_23 = arith.constant 16 : i32
      %mul3A_24 = vector.broadcast %mul3A_23 : i32 to vector<16xi32>
      %mul3A_25 = arith.muli %get3A_22, %mul3A_24 : vector<16xi32>
      %add3A_26 = arith.addi %mul3A_25, %iota3A : vector<16xi32>
      %mul3A_27 = arith.constant 16 : i32
      %mul3A_28 = arith.muli %scan3A_19, %mul3A_27 : i32
      %add3A_29 = vector.broadcast %mul3A_28 : i32 to vector<16xi32>
      %add3A_30 = arith.addi %iota3A, %add3A_29 : vector<16xi32>
      %masked_sort3A = arith.constant dense<true> : vector<16xi1>
      %masked_sort3A_31 = arith.constant -2147483648 : i32
      %masked_sort3A_32 = vector.broadcast %masked_sort3A_31 : i32 to vector<16xi32>
      %masked_sort3A_33 = arith.xori %add3A_26, %masked_sort3A_32 : vector<16xi32>
      %masked_sort3A_34, %masked_sort3A_35, %masked_sort3A_36 = tpu.sort %masked_sort3A_33, %add3A_30 masked %masked_sort3A : (vector<16xi32>, vector<16xi32>, vector<16xi1>) -> (vector<16xi1>, vector<16xi32>, vector<16xi32>)
      %masked_sort3A_37 = arith.xori %masked_sort3A_35, %masked_sort3A_32 : vector<16xi32>
      %shift_right_logical3A = arith.constant 4 : i32
      %shift_right_logical3A_38 = vector.broadcast %shift_right_logical3A : i32 to vector<16xi32>
      %shift_right_logical3A_39 = arith.shrui %masked_sort3A_37, %shift_right_logical3A_38 : vector<16xi32>
      %broadcast_in_dim3A = vector.shape_cast %min3A_11 : vector<16xi32> to vector<16x1xi32>
      %gather3A = vector.shape_cast %broadcast_in_dim3A : vector<16x1xi32> to vector<16xi32>
      %gather3A_40 = tpu.dynamic_gather %shift_right_logical3A_39[%gather3A] in [0] : vector<16xi32>, vector<16xi32> -> vector<16xi32>
      %ne3A = arith.cmpi ne, %shift_right_logical3A_39, %gather3A_40 : vector<16xi32>
      %eq3A = arith.constant 15 : i32
      %eq3A_41 = vector.broadcast %eq3A : i32 to vector<16xi32>
      %eq3A_42 = arith.cmpi eq, %iota3A, %eq3A_41 : vector<16xi32>
      %or3A = arith.ori %ne3A, %eq3A_42 : vector<16xi1>
      %ge3A = vector.broadcast %mul3A_6 : i32 to vector<16xi32>
      %ge3A_43 = arith.cmpi sge, %shift_right_logical3A_39, %ge3A : vector<16xi32>
      %add3A_44 = arith.constant 31256 : i32
      %add3A_45 = arith.addi %mul3A_6, %add3A_44 : i32
      %lt3A = vector.broadcast %add3A_45 : i32 to vector<16xi32>
      %lt3A_46 = arith.cmpi slt, %shift_right_logical3A_39, %lt3A : vector<16xi32>
      %and3A = arith.andi %ge3A_43, %lt3A_46 : vector<16xi1>
      %sub3A = vector.broadcast %mul3A_6 : i32 to vector<16xi32>
      %sub3A_47 = arith.subi %shift_right_logical3A_39, %sub3A : vector<16xi32>
      %and3A_48 = arith.andi %or3A, %and3A : vector<16xi1>
      tpu.vector_store_idx %arg9[%sub3A_47], %masked_sort3A_36 masked %and3A_48 : memref<31256xi32, #tpu.memory_space<vmem>>[vector<16xi32>], vector<16xi32>, vector<16xi1>
    }
    %scan3A_16 = arith.constant 1024 : i32
    "tpu.region"() ({
      %run_scoped3A = tpu.sem_alloc : memref<!tpu.dma_semaphore, #tpu.memory_space<semaphore_mem>>
      %dma_start3A_19 = tpu.memref_slice %arg5[%mul3A_6] : memref<1000192xi32, #tpu.memory_space<hbm>> -> memref<31256xi32, #tpu.memory_space<hbm>>
      %dma_start3A_20 = tpu.memref_slice %arg5[%mul3A_6] : memref<1000192xi32, #tpu.memory_space<hbm>> -> memref<31256xi32, #tpu.memory_space<hbm>>
      tpu.enqueue_dma source(%arg9 : memref<31256xi32, #tpu.memory_space<vmem>>) target(%dma_start3A_20 : memref<31256xi32, #tpu.memory_space<hbm>>) target_semaphore(%run_scoped3A : memref<!tpu.dma_semaphore, #tpu.memory_space<semaphore_mem>>)
      %dma_wait3A_21 = tpu.memref_slice %arg5[%mul3A_6] : memref<1000192xi32, #tpu.memory_space<hbm>> -> memref<31256xi32, #tpu.memory_space<hbm>>
      %dma_wait3A_22 = tpu.memref_slice %arg5[%mul3A_6] : memref<1000192xi32, #tpu.memory_space<hbm>> -> memref<31256xi32, #tpu.memory_space<hbm>>
      tpu.wait_dma2 semaphore(%run_scoped3A : memref<!tpu.dma_semaphore, #tpu.memory_space<semaphore_mem>>) src(%arg9 : memref<31256xi32, #tpu.memory_space<vmem>>) dst(%dma_wait3A_22 : memref<31256xi32, #tpu.memory_space<hbm>>)
      tpu.yield
    }) : () -> ()
    %dma_wait3A = arith.constant 0 : i32
    %dma_wait3A_17 = arith.constant 0 : i32
    %dma_wait3A_18 = tpu.memref_slice %arg2[%dma_wait3A, %dma_wait3A_17] : memref<1000000x64xf32, #tpu.memory_space<hbm>> -> memref<1000000x64xf32, #tpu.memory_space<hbm>>
    tpu.wait_indirect_dma semaphore(%arg10 : memref<!tpu.dma_semaphore, #tpu.memory_space<semaphore_mem>>) src(%dma_wait3A_18 : memref<1000000x64xf32, #tpu.memory_space<hbm>>) dst(%arg7 : memref<512x64xf32, #tpu.memory_space<vmem>>)
    "tpu.region"() ({
      %run_scoped3A = tpu.sem_alloc : memref<!tpu.dma_semaphore, #tpu.memory_space<semaphore_mem>>
      %dma_start3A_19 = arith.constant 0 : i32
      %dma_start3A_20 = tpu.memref_slice %arg4[%mul3A_2, %dma_start3A_19] : memref<16384x64xf32, #tpu.memory_space<hbm>> -> memref<512x64xf32, #tpu.memory_space<hbm>>
      %dma_start3A_21 = arith.constant 0 : i32
      %dma_start3A_22 = tpu.memref_slice %arg4[%mul3A_2, %dma_start3A_21] : memref<16384x64xf32, #tpu.memory_space<hbm>> -> memref<512x64xf32, #tpu.memory_space<hbm>>
      tpu.enqueue_dma source(%arg7 : memref<512x64xf32, #tpu.memory_space<vmem>>) target(%dma_start3A_22 : memref<512x64xf32, #tpu.memory_space<hbm>>) target_semaphore(%run_scoped3A : memref<!tpu.dma_semaphore, #tpu.memory_space<semaphore_mem>>)
      %dma_wait3A_23 = arith.constant 0 : i32
      %dma_wait3A_24 = tpu.memref_slice %arg4[%mul3A_2, %dma_wait3A_23] : memref<16384x64xf32, #tpu.memory_space<hbm>> -> memref<512x64xf32, #tpu.memory_space<hbm>>
      %dma_wait3A_25 = arith.constant 0 : i32
      %dma_wait3A_26 = tpu.memref_slice %arg4[%mul3A_2, %dma_wait3A_25] : memref<16384x64xf32, #tpu.memory_space<hbm>> -> memref<512x64xf32, #tpu.memory_space<hbm>>
      tpu.wait_dma2 semaphore(%run_scoped3A : memref<!tpu.dma_semaphore, #tpu.memory_space<semaphore_mem>>) src(%arg7 : memref<512x64xf32, #tpu.memory_space<vmem>>) dst(%dma_wait3A_26 : memref<512x64xf32, #tpu.memory_space<hbm>>)
      tpu.yield
    }) : () -> ()
    return
  }
}

#map = affine_map<(d0, d1) -> (0, 0)>
#map1 = affine_map<(d0, d1) -> (0)>
module attributes {stable_mosaic.version = 14 : i64} {
  func.func @k(%arg0: i32, %arg1: i32, %arg2: memref<1000000x64xf32, #tpu.memory_space<hbm>>, %arg3: memref<16384xi32, #tpu.memory_space<hbm>>, %arg4: memref<1000192xi32, #tpu.memory_space<hbm>>, %arg5: memref<16384x64xf32, #tpu.memory_space<hbm>>, %arg6: memref<1000000x64xf32, #tpu.memory_space<hbm>>) attributes {dimension_semantics = [#tpu.dimension_semantics<core_parallel>, #tpu.dimension_semantics<subcore_parallel>], iteration_bounds = array<i64: 2, 16>, scalar_prefetch = 0 : i64, scratch_operands = 0 : i64, tpu.core_type = #tpu.core_type<sc_vector_subcore>, window_params = [{transform_indices = #map}, {transform_indices = #map1}, {transform_indices = #map1}, {transform_indices = #map}, {transform_indices = #map}]} {
    %mul3A = arith.constant 2 : i32
    %mul3A_0 = arith.muli %arg1, %mul3A : i32
    %add3A = arith.addi %mul3A_0, %arg0 : i32
    %mul3A_1 = arith.constant 31250 : i32
    %mul3A_2 = arith.muli %add3A, %mul3A_1 : i32
    "tpu.region"() ({
      %run_scoped3A = memref.alloca() : memref<125x64xf32, #tpu.memory_space<vmem>>
      %run_scoped3A_3 = memref.alloca() : memref<125x64xf32, #tpu.memory_space<vmem>>
      %run_scoped3A_4 = memref.alloca() : memref<125x64xf32, #tpu.memory_space<vmem>>
      %run_scoped3A_5 = memref.alloca() : memref<125x64xf32, #tpu.memory_space<vmem>>
      %run_scoped3A_6 = memref.alloca() : memref<125x64xf32, #tpu.memory_space<vmem>>
      %run_scoped3A_7 = tpu.sem_alloc : memref<!tpu.dma_semaphore, #tpu.memory_space<semaphore_mem>>
      %run_scoped3A_8 = tpu.sem_alloc : memref<!tpu.dma_semaphore, #tpu.memory_space<semaphore_mem>>
      %run_scoped3A_9 = tpu.sem_alloc : memref<!tpu.dma_semaphore, #tpu.memory_space<semaphore_mem>>
      %run_scoped3A_10 = tpu.sem_alloc : memref<!tpu.dma_semaphore, #tpu.memory_space<semaphore_mem>>
      %run_scoped3A_11 = tpu.sem_alloc : memref<!tpu.dma_semaphore, #tpu.memory_space<semaphore_mem>>
      %run_scoped3A_12 = tpu.sem_alloc : memref<!tpu.dma_semaphore, #tpu.memory_space<semaphore_mem>>
      %run_scoped3A_13 = tpu.sem_alloc : memref<!tpu.dma_semaphore, #tpu.memory_space<semaphore_mem>>
      %run_scoped3A_14 = tpu.sem_alloc : memref<!tpu.dma_semaphore, #tpu.memory_space<semaphore_mem>>
      %run_scoped3A_15 = tpu.sem_alloc : memref<!tpu.dma_semaphore, #tpu.memory_space<semaphore_mem>>
      %run_scoped3A_16 = tpu.sem_alloc : memref<!tpu.dma_semaphore, #tpu.memory_space<semaphore_mem>>
      %add3A_17 = arith.constant 0 : i32
      %add3A_18 = arith.addi %mul3A_2, %add3A_17 : i32
      %dma_start3A = arith.constant 0 : i32
      %dma_start3A_19 = tpu.memref_slice %arg2[%add3A_18, %dma_start3A] : memref<1000000x64xf32, #tpu.memory_space<hbm>> -> memref<125x64xf32, #tpu.memory_space<hbm>>
      %dma_start3A_20 = arith.constant 0 : i32
      %dma_start3A_21 = tpu.memref_slice %arg2[%add3A_18, %dma_start3A_20] : memref<1000000x64xf32, #tpu.memory_space<hbm>> -> memref<125x64xf32, #tpu.memory_space<hbm>>
      tpu.enqueue_dma source(%dma_start3A_21 : memref<125x64xf32, #tpu.memory_space<hbm>>) target(%run_scoped3A : memref<125x64xf32, #tpu.memory_space<vmem>>) target_semaphore(%run_scoped3A_7 : memref<!tpu.dma_semaphore, #tpu.memory_space<semaphore_mem>>)
      %add3A_22 = arith.constant 125 : i32
      %add3A_23 = arith.addi %mul3A_2, %add3A_22 : i32
      %dma_start3A_24 = arith.constant 0 : i32
      %dma_start3A_25 = tpu.memref_slice %arg2[%add3A_23, %dma_start3A_24] : memref<1000000x64xf32, #tpu.memory_space<hbm>> -> memref<125x64xf32, #tpu.memory_space<hbm>>
      %dma_start3A_26 = arith.constant 0 : i32
      %dma_start3A_27 = tpu.memref_slice %arg2[%add3A_23, %dma_start3A_26] : memref<1000000x64xf32, #tpu.memory_space<hbm>> -> memref<125x64xf32, #tpu.memory_space<hbm>>
      tpu.enqueue_dma source(%dma_start3A_27 : memref<125x64xf32, #tpu.memory_space<hbm>>) target(%run_scoped3A_3 : memref<125x64xf32, #tpu.memory_space<vmem>>) target_semaphore(%run_scoped3A_8 : memref<!tpu.dma_semaphore, #tpu.memory_space<semaphore_mem>>)
      %add3A_28 = arith.constant 250 : i32
      %add3A_29 = arith.addi %mul3A_2, %add3A_28 : i32
      %dma_start3A_30 = arith.constant 0 : i32
      %dma_start3A_31 = tpu.memref_slice %arg2[%add3A_29, %dma_start3A_30] : memref<1000000x64xf32, #tpu.memory_space<hbm>> -> memref<125x64xf32, #tpu.memory_space<hbm>>
      %dma_start3A_32 = arith.constant 0 : i32
      %dma_start3A_33 = tpu.memref_slice %arg2[%add3A_29, %dma_start3A_32] : memref<1000000x64xf32, #tpu.memory_space<hbm>> -> memref<125x64xf32, #tpu.memory_space<hbm>>
      tpu.enqueue_dma source(%dma_start3A_33 : memref<125x64xf32, #tpu.memory_space<hbm>>) target(%run_scoped3A_4 : memref<125x64xf32, #tpu.memory_space<vmem>>) target_semaphore(%run_scoped3A_9 : memref<!tpu.dma_semaphore, #tpu.memory_space<semaphore_mem>>)
      %add3A_34 = arith.constant 375 : i32
      %add3A_35 = arith.addi %mul3A_2, %add3A_34 : i32
      %dma_start3A_36 = arith.constant 0 : i32
      %dma_start3A_37 = tpu.memref_slice %arg2[%add3A_35, %dma_start3A_36] : memref<1000000x64xf32, #tpu.memory_space<hbm>> -> memref<125x64xf32, #tpu.memory_space<hbm>>
      %dma_start3A_38 = arith.constant 0 : i32
      %dma_start3A_39 = tpu.memref_slice %arg2[%add3A_35, %dma_start3A_38] : memref<1000000x64xf32, #tpu.memory_space<hbm>> -> memref<125x64xf32, #tpu.memory_space<hbm>>
      tpu.enqueue_dma source(%dma_start3A_39 : memref<125x64xf32, #tpu.memory_space<hbm>>) target(%run_scoped3A_5 : memref<125x64xf32, #tpu.memory_space<vmem>>) target_semaphore(%run_scoped3A_10 : memref<!tpu.dma_semaphore, #tpu.memory_space<semaphore_mem>>)
      %add3A_40 = arith.constant 500 : i32
      %add3A_41 = arith.addi %mul3A_2, %add3A_40 : i32
      %dma_start3A_42 = arith.constant 0 : i32
      %dma_start3A_43 = tpu.memref_slice %arg2[%add3A_41, %dma_start3A_42] : memref<1000000x64xf32, #tpu.memory_space<hbm>> -> memref<125x64xf32, #tpu.memory_space<hbm>>
      %dma_start3A_44 = arith.constant 0 : i32
      %dma_start3A_45 = tpu.memref_slice %arg2[%add3A_41, %dma_start3A_44] : memref<1000000x64xf32, #tpu.memory_space<hbm>> -> memref<125x64xf32, #tpu.memory_space<hbm>>
      tpu.enqueue_dma source(%dma_start3A_45 : memref<125x64xf32, #tpu.memory_space<hbm>>) target(%run_scoped3A_6 : memref<125x64xf32, #tpu.memory_space<vmem>>) target_semaphore(%run_scoped3A_11 : memref<!tpu.dma_semaphore, #tpu.memory_space<semaphore_mem>>)
      %scan3A = arith.constant 0 : i32
      %scan3A_46 = arith.constant 0 : i32
      %scan3A_47 = arith.constant 49 : i32
      %scan3A_48 = arith.addi %scan3A_46, %scan3A_47 : i32
      %scan3A_49 = arith.constant 1 : i32
      scf.for %scan3A_140 = %scan3A_46 to %scan3A_48 step %scan3A_49  : i32 {
        %mul3A_141 = arith.constant 5 : i32
        %mul3A_142 = arith.muli %scan3A_140, %mul3A_141 : i32
        %add3A_143 = arith.constant 0 : i32
        %add3A_144 = arith.addi %mul3A_142, %add3A_143 : i32
        %mul3A_145 = arith.constant 125 : i32
        %mul3A_146 = arith.muli %add3A_144, %mul3A_145 : i32
        %add3A_147 = arith.addi %mul3A_2, %mul3A_146 : i32
        %dma_wait3A_148 = arith.constant 0 : i32
        %dma_wait3A_149 = tpu.memref_slice %arg2[%add3A_147, %dma_wait3A_148] : memref<1000000x64xf32, #tpu.memory_space<hbm>> -> memref<125x64xf32, #tpu.memory_space<hbm>>
        %dma_wait3A_150 = arith.constant 0 : i32
        %dma_wait3A_151 = tpu.memref_slice %arg2[%add3A_147, %dma_wait3A_150] : memref<1000000x64xf32, #tpu.memory_space<hbm>> -> memref<125x64xf32, #tpu.memory_space<hbm>>
        tpu.wait_dma2 semaphore(%run_scoped3A_7 : memref<!tpu.dma_semaphore, #tpu.memory_space<semaphore_mem>>) src(%dma_wait3A_151 : memref<125x64xf32, #tpu.memory_space<hbm>>) dst(%run_scoped3A : memref<125x64xf32, #tpu.memory_space<vmem>>)
        %add3A_152 = arith.constant 0 : i32
        %add3A_153 = arith.addi %mul3A_142, %add3A_152 : i32
        %mul3A_154 = arith.constant 125 : i32
        %mul3A_155 = arith.muli %add3A_153, %mul3A_154 : i32
        %add3A_156 = arith.addi %mul3A_2, %mul3A_155 : i32
        %dma_start3A_157 = arith.constant 0 : i32
        %dma_start3A_158 = tpu.memref_slice %arg6[%add3A_156, %dma_start3A_157] : memref<1000000x64xf32, #tpu.memory_space<hbm>> -> memref<125x64xf32, #tpu.memory_space<hbm>>
        %dma_start3A_159 = arith.constant 0 : i32
        %dma_start3A_160 = tpu.memref_slice %arg6[%add3A_156, %dma_start3A_159] : memref<1000000x64xf32, #tpu.memory_space<hbm>> -> memref<125x64xf32, #tpu.memory_space<hbm>>
        tpu.enqueue_dma source(%run_scoped3A : memref<125x64xf32, #tpu.memory_space<vmem>>) target(%dma_start3A_160 : memref<125x64xf32, #tpu.memory_space<hbm>>) target_semaphore(%run_scoped3A_12 : memref<!tpu.dma_semaphore, #tpu.memory_space<semaphore_mem>>)
        %add3A_161 = arith.constant 0 : i32
        %add3A_162 = arith.addi %mul3A_142, %add3A_161 : i32
        %mul3A_163 = arith.constant 125 : i32
        %mul3A_164 = arith.muli %add3A_162, %mul3A_163 : i32
        %add3A_165 = arith.addi %mul3A_2, %mul3A_164 : i32
        %dma_wait3A_166 = arith.constant 0 : i32
        %dma_wait3A_167 = tpu.memref_slice %arg6[%add3A_165, %dma_wait3A_166] : memref<1000000x64xf32, #tpu.memory_space<hbm>> -> memref<125x64xf32, #tpu.memory_space<hbm>>
        %dma_wait3A_168 = arith.constant 0 : i32
        %dma_wait3A_169 = tpu.memref_slice %arg6[%add3A_165, %dma_wait3A_168] : memref<1000000x64xf32, #tpu.memory_space<hbm>> -> memref<125x64xf32, #tpu.memory_space<hbm>>
        tpu.wait_dma2 semaphore(%run_scoped3A_12 : memref<!tpu.dma_semaphore, #tpu.memory_space<semaphore_mem>>) src(%run_scoped3A : memref<125x64xf32, #tpu.memory_space<vmem>>) dst(%dma_wait3A_169 : memref<125x64xf32, #tpu.memory_space<hbm>>)
        %add3A_170 = arith.constant 5 : i32
        %add3A_171 = arith.addi %mul3A_142, %add3A_170 : i32
        %add3A_172 = arith.constant 0 : i32
        %add3A_173 = arith.addi %add3A_171, %add3A_172 : i32
        %mul3A_174 = arith.constant 125 : i32
        %mul3A_175 = arith.muli %add3A_173, %mul3A_174 : i32
        %add3A_176 = arith.addi %mul3A_2, %mul3A_175 : i32
        %dma_start3A_177 = arith.constant 0 : i32
        %dma_start3A_178 = tpu.memref_slice %arg2[%add3A_176, %dma_start3A_177] : memref<1000000x64xf32, #tpu.memory_space<hbm>> -> memref<125x64xf32, #tpu.memory_space<hbm>>
        %dma_start3A_179 = arith.constant 0 : i32
        %dma_start3A_180 = tpu.memref_slice %arg2[%add3A_176, %dma_start3A_179] : memref<1000000x64xf32, #tpu.memory_space<hbm>> -> memref<125x64xf32, #tpu.memory_space<hbm>>
        tpu.enqueue_dma source(%dma_start3A_180 : memref<125x64xf32, #tpu.memory_space<hbm>>) target(%run_scoped3A : memref<125x64xf32, #tpu.memory_space<vmem>>) target_semaphore(%run_scoped3A_7 : memref<!tpu.dma_semaphore, #tpu.memory_space<semaphore_mem>>)
        %add3A_181 = arith.constant 1 : i32
        %add3A_182 = arith.addi %mul3A_142, %add3A_181 : i32
        %mul3A_183 = arith.constant 125 : i32
        %mul3A_184 = arith.muli %add3A_182, %mul3A_183 : i32
        %add3A_185 = arith.addi %mul3A_2, %mul3A_184 : i32
        %dma_wait3A_186 = arith.constant 0 : i32
        %dma_wait3A_187 = tpu.memref_slice %arg2[%add3A_185, %dma_wait3A_186] : memref<1000000x64xf32, #tpu.memory_space<hbm>> -> memref<125x64xf32, #tpu.memory_space<hbm>>
        %dma_wait3A_188 = arith.constant 0 : i32
        %dma_wait3A_189 = tpu.memref_slice %arg2[%add3A_185, %dma_wait3A_188] : memref<1000000x64xf32, #tpu.memory_space<hbm>> -> memref<125x64xf32, #tpu.memory_space<hbm>>
        tpu.wait_dma2 semaphore(%run_scoped3A_8 : memref<!tpu.dma_semaphore, #tpu.memory_space<semaphore_mem>>) src(%dma_wait3A_189 : memref<125x64xf32, #tpu.memory_space<hbm>>) dst(%run_scoped3A_3 : memref<125x64xf32, #tpu.memory_space<vmem>>)
        %add3A_190 = arith.constant 1 : i32
        %add3A_191 = arith.addi %mul3A_142, %add3A_190 : i32
        %mul3A_192 = arith.constant 125 : i32
        %mul3A_193 = arith.muli %add3A_191, %mul3A_192 : i32
        %add3A_194 = arith.addi %mul3A_2, %mul3A_193 : i32
        %dma_start3A_195 = arith.constant 0 : i32
        %dma_start3A_196 = tpu.memref_slice %arg6[%add3A_194, %dma_start3A_195] : memref<1000000x64xf32, #tpu.memory_space<hbm>> -> memref<125x64xf32, #tpu.memory_space<hbm>>
        %dma_start3A_197 = arith.constant 0 : i32
        %dma_start3A_198 = tpu.memref_slice %arg6[%add3A_194, %dma_start3A_197] : memref<1000000x64xf32, #tpu.memory_space<hbm>> -> memref<125x64xf32, #tpu.memory_space<hbm>>
        tpu.enqueue_dma source(%run_scoped3A_3 : memref<125x64xf32, #tpu.memory_space<vmem>>) target(%dma_start3A_198 : memref<125x64xf32, #tpu.memory_space<hbm>>) target_semaphore(%run_scoped3A_13 : memref<!tpu.dma_semaphore, #tpu.memory_space<semaphore_mem>>)
        %add3A_199 = arith.constant 1 : i32
        %add3A_200 = arith.addi %mul3A_142, %add3A_199 : i32
        %mul3A_201 = arith.constant 125 : i32
        %mul3A_202 = arith.muli %add3A_200, %mul3A_201 : i32
        %add3A_203 = arith.addi %mul3A_2, %mul3A_202 : i32
        %dma_wait3A_204 = arith.constant 0 : i32
        %dma_wait3A_205 = tpu.memref_slice %arg6[%add3A_203, %dma_wait3A_204] : memref<1000000x64xf32, #tpu.memory_space<hbm>> -> memref<125x64xf32, #tpu.memory_space<hbm>>
        %dma_wait3A_206 = arith.constant 0 : i32
        %dma_wait3A_207 = tpu.memref_slice %arg6[%add3A_203, %dma_wait3A_206] : memref<1000000x64xf32, #tpu.memory_space<hbm>> -> memref<125x64xf32, #tpu.memory_space<hbm>>
        tpu.wait_dma2 semaphore(%run_scoped3A_13 : memref<!tpu.dma_semaphore, #tpu.memory_space<semaphore_mem>>) src(%run_scoped3A_3 : memref<125x64xf32, #tpu.memory_space<vmem>>) dst(%dma_wait3A_207 : memref<125x64xf32, #tpu.memory_space<hbm>>)
        %add3A_208 = arith.constant 5 : i32
        %add3A_209 = arith.addi %mul3A_142, %add3A_208 : i32
        %add3A_210 = arith.constant 1 : i32
        %add3A_211 = arith.addi %add3A_209, %add3A_210 : i32
        %mul3A_212 = arith.constant 125 : i32
        %mul3A_213 = arith.muli %add3A_211, %mul3A_212 : i32
        %add3A_214 = arith.addi %mul3A_2, %mul3A_213 : i32
        %dma_start3A_215 = arith.constant 0 : i32
        %dma_start3A_216 = tpu.memref_slice %arg2[%add3A_214, %dma_start3A_215] : memref<1000000x64xf32, #tpu.memory_space<hbm>> -> memref<125x64xf32, #tpu.memory_space<hbm>>
        %dma_start3A_217 = arith.constant 0 : i32
        %dma_start3A_218 = tpu.memref_slice %arg2[%add3A_214, %dma_start3A_217] : memref<1000000x64xf32, #tpu.memory_space<hbm>> -> memref<125x64xf32, #tpu.memory_space<hbm>>
        tpu.enqueue_dma source(%dma_start3A_218 : memref<125x64xf32, #tpu.memory_space<hbm>>) target(%run_scoped3A_3 : memref<125x64xf32, #tpu.memory_space<vmem>>) target_semaphore(%run_scoped3A_8 : memref<!tpu.dma_semaphore, #tpu.memory_space<semaphore_mem>>)
        %add3A_219 = arith.constant 2 : i32
        %add3A_220 = arith.addi %mul3A_142, %add3A_219 : i32
        %mul3A_221 = arith.constant 125 : i32
        %mul3A_222 = arith.muli %add3A_220, %mul3A_221 : i32
        %add3A_223 = arith.addi %mul3A_2, %mul3A_222 : i32
        %dma_wait3A_224 = arith.constant 0 : i32
        %dma_wait3A_225 = tpu.memref_slice %arg2[%add3A_223, %dma_wait3A_224] : memref<1000000x64xf32, #tpu.memory_space<hbm>> -> memref<125x64xf32, #tpu.memory_space<hbm>>
        %dma_wait3A_226 = arith.constant 0 : i32
        %dma_wait3A_227 = tpu.memref_slice %arg2[%add3A_223, %dma_wait3A_226] : memref<1000000x64xf32, #tpu.memory_space<hbm>> -> memref<125x64xf32, #tpu.memory_space<hbm>>
        tpu.wait_dma2 semaphore(%run_scoped3A_9 : memref<!tpu.dma_semaphore, #tpu.memory_space<semaphore_mem>>) src(%dma_wait3A_227 : memref<125x64xf32, #tpu.memory_space<hbm>>) dst(%run_scoped3A_4 : memref<125x64xf32, #tpu.memory_space<vmem>>)
        %add3A_228 = arith.constant 2 : i32
        %add3A_229 = arith.addi %mul3A_142, %add3A_228 : i32
        %mul3A_230 = arith.constant 125 : i32
        %mul3A_231 = arith.muli %add3A_229, %mul3A_230 : i32
        %add3A_232 = arith.addi %mul3A_2, %mul3A_231 : i32
        %dma_start3A_233 = arith.constant 0 : i32
        %dma_start3A_234 = tpu.memref_slice %arg6[%add3A_232, %dma_start3A_233] : memref<1000000x64xf32, #tpu.memory_space<hbm>> -> memref<125x64xf32, #tpu.memory_space<hbm>>
        %dma_start3A_235 = arith.constant 0 : i32
        %dma_start3A_236 = tpu.memref_slice %arg6[%add3A_232, %dma_start3A_235] : memref<1000000x64xf32, #tpu.memory_space<hbm>> -> memref<125x64xf32, #tpu.memory_space<hbm>>
        tpu.enqueue_dma source(%run_scoped3A_4 : memref<125x64xf32, #tpu.memory_space<vmem>>) target(%dma_start3A_236 : memref<125x64xf32, #tpu.memory_space<hbm>>) target_semaphore(%run_scoped3A_14 : memref<!tpu.dma_semaphore, #tpu.memory_space<semaphore_mem>>)
        %add3A_237 = arith.constant 2 : i32
        %add3A_238 = arith.addi %mul3A_142, %add3A_237 : i32
        %mul3A_239 = arith.constant 125 : i32
        %mul3A_240 = arith.muli %add3A_238, %mul3A_239 : i32
        %add3A_241 = arith.addi %mul3A_2, %mul3A_240 : i32
        %dma_wait3A_242 = arith.constant 0 : i32
        %dma_wait3A_243 = tpu.memref_slice %arg6[%add3A_241, %dma_wait3A_242] : memref<1000000x64xf32, #tpu.memory_space<hbm>> -> memref<125x64xf32, #tpu.memory_space<hbm>>
        %dma_wait3A_244 = arith.constant 0 : i32
        %dma_wait3A_245 = tpu.memref_slice %arg6[%add3A_241, %dma_wait3A_244] : memref<1000000x64xf32, #tpu.memory_space<hbm>> -> memref<125x64xf32, #tpu.memory_space<hbm>>
        tpu.wait_dma2 semaphore(%run_scoped3A_14 : memref<!tpu.dma_semaphore, #tpu.memory_space<semaphore_mem>>) src(%run_scoped3A_4 : memref<125x64xf32, #tpu.memory_space<vmem>>) dst(%dma_wait3A_245 : memref<125x64xf32, #tpu.memory_space<hbm>>)
        %add3A_246 = arith.constant 5 : i32
        %add3A_247 = arith.addi %mul3A_142, %add3A_246 : i32
        %add3A_248 = arith.constant 2 : i32
        %add3A_249 = arith.addi %add3A_247, %add3A_248 : i32
        %mul3A_250 = arith.constant 125 : i32
        %mul3A_251 = arith.muli %add3A_249, %mul3A_250 : i32
        %add3A_252 = arith.addi %mul3A_2, %mul3A_251 : i32
        %dma_start3A_253 = arith.constant 0 : i32
        %dma_start3A_254 = tpu.memref_slice %arg2[%add3A_252, %dma_start3A_253] : memref<1000000x64xf32, #tpu.memory_space<hbm>> -> memref<125x64xf32, #tpu.memory_space<hbm>>
        %dma_start3A_255 = arith.constant 0 : i32
        %dma_start3A_256 = tpu.memref_slice %arg2[%add3A_252, %dma_start3A_255] : memref<1000000x64xf32, #tpu.memory_space<hbm>> -> memref<125x64xf32, #tpu.memory_space<hbm>>
        tpu.enqueue_dma source(%dma_start3A_256 : memref<125x64xf32, #tpu.memory_space<hbm>>) target(%run_scoped3A_4 : memref<125x64xf32, #tpu.memory_space<vmem>>) target_semaphore(%run_scoped3A_9 : memref<!tpu.dma_semaphore, #tpu.memory_space<semaphore_mem>>)
        %add3A_257 = arith.constant 3 : i32
        %add3A_258 = arith.addi %mul3A_142, %add3A_257 : i32
        %mul3A_259 = arith.constant 125 : i32
        %mul3A_260 = arith.muli %add3A_258, %mul3A_259 : i32
        %add3A_261 = arith.addi %mul3A_2, %mul3A_260 : i32
        %dma_wait3A_262 = arith.constant 0 : i32
        %dma_wait3A_263 = tpu.memref_slice %arg2[%add3A_261, %dma_wait3A_262] : memref<1000000x64xf32, #tpu.memory_space<hbm>> -> memref<125x64xf32, #tpu.memory_space<hbm>>
        %dma_wait3A_264 = arith.constant 0 : i32
        %dma_wait3A_265 = tpu.memref_slice %arg2[%add3A_261, %dma_wait3A_264] : memref<1000000x64xf32, #tpu.memory_space<hbm>> -> memref<125x64xf32, #tpu.memory_space<hbm>>
        tpu.wait_dma2 semaphore(%run_scoped3A_10 : memref<!tpu.dma_semaphore, #tpu.memory_space<semaphore_mem>>) src(%dma_wait3A_265 : memref<125x64xf32, #tpu.memory_space<hbm>>) dst(%run_scoped3A_5 : memref<125x64xf32, #tpu.memory_space<vmem>>)
        %add3A_266 = arith.constant 3 : i32
        %add3A_267 = arith.addi %mul3A_142, %add3A_266 : i32
        %mul3A_268 = arith.constant 125 : i32
        %mul3A_269 = arith.muli %add3A_267, %mul3A_268 : i32
        %add3A_270 = arith.addi %mul3A_2, %mul3A_269 : i32
        %dma_start3A_271 = arith.constant 0 : i32
        %dma_start3A_272 = tpu.memref_slice %arg6[%add3A_270, %dma_start3A_271] : memref<1000000x64xf32, #tpu.memory_space<hbm>> -> memref<125x64xf32, #tpu.memory_space<hbm>>
        %dma_start3A_273 = arith.constant 0 : i32
        %dma_start3A_274 = tpu.memref_slice %arg6[%add3A_270, %dma_start3A_273] : memref<1000000x64xf32, #tpu.memory_space<hbm>> -> memref<125x64xf32, #tpu.memory_space<hbm>>
        tpu.enqueue_dma source(%run_scoped3A_5 : memref<125x64xf32, #tpu.memory_space<vmem>>) target(%dma_start3A_274 : memref<125x64xf32, #tpu.memory_space<hbm>>) target_semaphore(%run_scoped3A_15 : memref<!tpu.dma_semaphore, #tpu.memory_space<semaphore_mem>>)
        %add3A_275 = arith.constant 3 : i32
        %add3A_276 = arith.addi %mul3A_142, %add3A_275 : i32
        %mul3A_277 = arith.constant 125 : i32
        %mul3A_278 = arith.muli %add3A_276, %mul3A_277 : i32
        %add3A_279 = arith.addi %mul3A_2, %mul3A_278 : i32
        %dma_wait3A_280 = arith.constant 0 : i32
        %dma_wait3A_281 = tpu.memref_slice %arg6[%add3A_279, %dma_wait3A_280] : memref<1000000x64xf32, #tpu.memory_space<hbm>> -> memref<125x64xf32, #tpu.memory_space<hbm>>
        %dma_wait3A_282 = arith.constant 0 : i32
        %dma_wait3A_283 = tpu.memref_slice %arg6[%add3A_279, %dma_wait3A_282] : memref<1000000x64xf32, #tpu.memory_space<hbm>> -> memref<125x64xf32, #tpu.memory_space<hbm>>
        tpu.wait_dma2 semaphore(%run_scoped3A_15 : memref<!tpu.dma_semaphore, #tpu.memory_space<semaphore_mem>>) src(%run_scoped3A_5 : memref<125x64xf32, #tpu.memory_space<vmem>>) dst(%dma_wait3A_283 : memref<125x64xf32, #tpu.memory_space<hbm>>)
        %add3A_284 = arith.constant 5 : i32
        %add3A_285 = arith.addi %mul3A_142, %add3A_284 : i32
        %add3A_286 = arith.constant 3 : i32
        %add3A_287 = arith.addi %add3A_285, %add3A_286 : i32
        %mul3A_288 = arith.constant 125 : i32
        %mul3A_289 = arith.muli %add3A_287, %mul3A_288 : i32
        %add3A_290 = arith.addi %mul3A_2, %mul3A_289 : i32
        %dma_start3A_291 = arith.constant 0 : i32
        %dma_start3A_292 = tpu.memref_slice %arg2[%add3A_290, %dma_start3A_291] : memref<1000000x64xf32, #tpu.memory_space<hbm>> -> memref<125x64xf32, #tpu.memory_space<hbm>>
        %dma_start3A_293 = arith.constant 0 : i32
        %dma_start3A_294 = tpu.memref_slice %arg2[%add3A_290, %dma_start3A_293] : memref<1000000x64xf32, #tpu.memory_space<hbm>> -> memref<125x64xf32, #tpu.memory_space<hbm>>
        tpu.enqueue_dma source(%dma_start3A_294 : memref<125x64xf32, #tpu.memory_space<hbm>>) target(%run_scoped3A_5 : memref<125x64xf32, #tpu.memory_space<vmem>>) target_semaphore(%run_scoped3A_10 : memref<!tpu.dma_semaphore, #tpu.memory_space<semaphore_mem>>)
        %add3A_295 = arith.constant 4 : i32
        %add3A_296 = arith.addi %mul3A_142, %add3A_295 : i32
        %mul3A_297 = arith.constant 125 : i32
        %mul3A_298 = arith.muli %add3A_296, %mul3A_297 : i32
        %add3A_299 = arith.addi %mul3A_2, %mul3A_298 : i32
        %dma_wait3A_300 = arith.constant 0 : i32
        %dma_wait3A_301 = tpu.memref_slice %arg2[%add3A_299, %dma_wait3A_300] : memref<1000000x64xf32, #tpu.memory_space<hbm>> -> memref<125x64xf32, #tpu.memory_space<hbm>>
        %dma_wait3A_302 = arith.constant 0 : i32
        %dma_wait3A_303 = tpu.memref_slice %arg2[%add3A_299, %dma_wait3A_302] : memref<1000000x64xf32, #tpu.memory_space<hbm>> -> memref<125x64xf32, #tpu.memory_space<hbm>>
        tpu.wait_dma2 semaphore(%run_scoped3A_11 : memref<!tpu.dma_semaphore, #tpu.memory_space<semaphore_mem>>) src(%dma_wait3A_303 : memref<125x64xf32, #tpu.memory_space<hbm>>) dst(%run_scoped3A_6 : memref<125x64xf32, #tpu.memory_space<vmem>>)
        %add3A_304 = arith.constant 4 : i32
        %add3A_305 = arith.addi %mul3A_142, %add3A_304 : i32
        %mul3A_306 = arith.constant 125 : i32
        %mul3A_307 = arith.muli %add3A_305, %mul3A_306 : i32
        %add3A_308 = arith.addi %mul3A_2, %mul3A_307 : i32
        %dma_start3A_309 = arith.constant 0 : i32
        %dma_start3A_310 = tpu.memref_slice %arg6[%add3A_308, %dma_start3A_309] : memref<1000000x64xf32, #tpu.memory_space<hbm>> -> memref<125x64xf32, #tpu.memory_space<hbm>>
        %dma_start3A_311 = arith.constant 0 : i32
        %dma_start3A_312 = tpu.memref_slice %arg6[%add3A_308, %dma_start3A_311] : memref<1000000x64xf32, #tpu.memory_space<hbm>> -> memref<125x64xf32, #tpu.memory_space<hbm>>
        tpu.enqueue_dma source(%run_scoped3A_6 : memref<125x64xf32, #tpu.memory_space<vmem>>) target(%dma_start3A_312 : memref<125x64xf32, #tpu.memory_space<hbm>>) target_semaphore(%run_scoped3A_16 : memref<!tpu.dma_semaphore, #tpu.memory_space<semaphore_mem>>)
        %add3A_313 = arith.constant 4 : i32
        %add3A_314 = arith.addi %mul3A_142, %add3A_313 : i32
        %mul3A_315 = arith.constant 125 : i32
        %mul3A_316 = arith.muli %add3A_314, %mul3A_315 : i32
        %add3A_317 = arith.addi %mul3A_2, %mul3A_316 : i32
        %dma_wait3A_318 = arith.constant 0 : i32
        %dma_wait3A_319 = tpu.memref_slice %arg6[%add3A_317, %dma_wait3A_318] : memref<1000000x64xf32, #tpu.memory_space<hbm>> -> memref<125x64xf32, #tpu.memory_space<hbm>>
        %dma_wait3A_320 = arith.constant 0 : i32
        %dma_wait3A_321 = tpu.memref_slice %arg6[%add3A_317, %dma_wait3A_320] : memref<1000000x64xf32, #tpu.memory_space<hbm>> -> memref<125x64xf32, #tpu.memory_space<hbm>>
        tpu.wait_dma2 semaphore(%run_scoped3A_16 : memref<!tpu.dma_semaphore, #tpu.memory_space<semaphore_mem>>) src(%run_scoped3A_6 : memref<125x64xf32, #tpu.memory_space<vmem>>) dst(%dma_wait3A_321 : memref<125x64xf32, #tpu.memory_space<hbm>>)
        %add3A_322 = arith.constant 5 : i32
        %add3A_323 = arith.addi %mul3A_142, %add3A_322 : i32
        %add3A_324 = arith.constant 4 : i32
        %add3A_325 = arith.addi %add3A_323, %add3A_324 : i32
        %mul3A_326 = arith.constant 125 : i32
        %mul3A_327 = arith.muli %add3A_325, %mul3A_326 : i32
        %add3A_328 = arith.addi %mul3A_2, %mul3A_327 : i32
        %dma_start3A_329 = arith.constant 0 : i32
        %dma_start3A_330 = tpu.memref_slice %arg2[%add3A_328, %dma_start3A_329] : memref<1000000x64xf32, #tpu.memory_space<hbm>> -> memref<125x64xf32, #tpu.memory_space<hbm>>
        %dma_start3A_331 = arith.constant 0 : i32
        %dma_start3A_332 = tpu.memref_slice %arg2[%add3A_328, %dma_start3A_331] : memref<1000000x64xf32, #tpu.memory_space<hbm>> -> memref<125x64xf32, #tpu.memory_space<hbm>>
        tpu.enqueue_dma source(%dma_start3A_332 : memref<125x64xf32, #tpu.memory_space<hbm>>) target(%run_scoped3A_6 : memref<125x64xf32, #tpu.memory_space<vmem>>) target_semaphore(%run_scoped3A_11 : memref<!tpu.dma_semaphore, #tpu.memory_space<semaphore_mem>>)
      }
      %scan3A_50 = arith.constant 49 : i32
      %add3A_51 = arith.constant 30625 : i32
      %add3A_52 = arith.addi %mul3A_2, %add3A_51 : i32
      %dma_wait3A = arith.constant 0 : i32
      %dma_wait3A_53 = tpu.memref_slice %arg2[%add3A_52, %dma_wait3A] : memref<1000000x64xf32, #tpu.memory_space<hbm>> -> memref<125x64xf32, #tpu.memory_space<hbm>>
      %dma_wait3A_54 = arith.constant 0 : i32
      %dma_wait3A_55 = tpu.memref_slice %arg2[%add3A_52, %dma_wait3A_54] : memref<1000000x64xf32, #tpu.memory_space<hbm>> -> memref<125x64xf32, #tpu.memory_space<hbm>>
      tpu.wait_dma2 semaphore(%run_scoped3A_7 : memref<!tpu.dma_semaphore, #tpu.memory_space<semaphore_mem>>) src(%dma_wait3A_55 : memref<125x64xf32, #tpu.memory_space<hbm>>) dst(%run_scoped3A : memref<125x64xf32, #tpu.memory_space<vmem>>)
      %add3A_56 = arith.constant 30625 : i32
      %add3A_57 = arith.addi %mul3A_2, %add3A_56 : i32
      %dma_start3A_58 = arith.constant 0 : i32
      %dma_start3A_59 = tpu.memref_slice %arg6[%add3A_57, %dma_start3A_58] : memref<1000000x64xf32, #tpu.memory_space<hbm>> -> memref<125x64xf32, #tpu.memory_space<hbm>>
      %dma_start3A_60 = arith.constant 0 : i32
      %dma_start3A_61 = tpu.memref_slice %arg6[%add3A_57, %dma_start3A_60] : memref<1000000x64xf32, #tpu.memory_space<hbm>> -> memref<125x64xf32, #tpu.memory_space<hbm>>
      tpu.enqueue_dma source(%run_scoped3A : memref<125x64xf32, #tpu.memory_space<vmem>>) target(%dma_start3A_61 : memref<125x64xf32, #tpu.memory_space<hbm>>) target_semaphore(%run_scoped3A_12 : memref<!tpu.dma_semaphore, #tpu.memory_space<semaphore_mem>>)
      %add3A_62 = arith.constant 30750 : i32
      %add3A_63 = arith.addi %mul3A_2, %add3A_62 : i32
      %dma_wait3A_64 = arith.constant 0 : i32
      %dma_wait3A_65 = tpu.memref_slice %arg2[%add3A_63, %dma_wait3A_64] : memref<1000000x64xf32, #tpu.memory_space<hbm>> -> memref<125x64xf32, #tpu.memory_space<hbm>>
      %dma_wait3A_66 = arith.constant 0 : i32
      %dma_wait3A_67 = tpu.memref_slice %arg2[%add3A_63, %dma_wait3A_66] : memref<1000000x64xf32, #tpu.memory_space<hbm>> -> memref<125x64xf32, #tpu.memory_space<hbm>>
      tpu.wait_dma2 semaphore(%run_scoped3A_8 : memref<!tpu.dma_semaphore, #tpu.memory_space<semaphore_mem>>) src(%dma_wait3A_67 : memref<125x64xf32, #tpu.memory_space<hbm>>) dst(%run_scoped3A_3 : memref<125x64xf32, #tpu.memory_space<vmem>>)
      %add3A_68 = arith.constant 30750 : i32
      %add3A_69 = arith.addi %mul3A_2, %add3A_68 : i32
      %dma_start3A_70 = arith.constant 0 : i32
      %dma_start3A_71 = tpu.memref_slice %arg6[%add3A_69, %dma_start3A_70] : memref<1000000x64xf32, #tpu.memory_space<hbm>> -> memref<125x64xf32, #tpu.memory_space<hbm>>
      %dma_start3A_72 = arith.constant 0 : i32
      %dma_start3A_73 = tpu.memref_slice %arg6[%add3A_69, %dma_start3A_72] : memref<1000000x64xf32, #tpu.memory_space<hbm>> -> memref<125x64xf32, #tpu.memory_space<hbm>>
      tpu.enqueue_dma source(%run_scoped3A_3 : memref<125x64xf32, #tpu.memory_space<vmem>>) target(%dma_start3A_73 : memref<125x64xf32, #tpu.memory_space<hbm>>) target_semaphore(%run_scoped3A_13 : memref<!tpu.dma_semaphore, #tpu.memory_space<semaphore_mem>>)
      %add3A_74 = arith.constant 30875 : i32
      %add3A_75 = arith.addi %mul3A_2, %add3A_74 : i32
      %dma_wait3A_76 = arith.constant 0 : i32
      %dma_wait3A_77 = tpu.memref_slice %arg2[%add3A_75, %dma_wait3A_76] : memref<1000000x64xf32, #tpu.memory_space<hbm>> -> memref<125x64xf32, #tpu.memory_space<hbm>>
      %dma_wait3A_78 = arith.constant 0 : i32
      %dma_wait3A_79 = tpu.memref_slice %arg2[%add3A_75, %dma_wait3A_78] : memref<1000000x64xf32, #tpu.memory_space<hbm>> -> memref<125x64xf32, #tpu.memory_space<hbm>>
      tpu.wait_dma2 semaphore(%run_scoped3A_9 : memref<!tpu.dma_semaphore, #tpu.memory_space<semaphore_mem>>) src(%dma_wait3A_79 : memref<125x64xf32, #tpu.memory_space<hbm>>) dst(%run_scoped3A_4 : memref<125x64xf32, #tpu.memory_space<vmem>>)
      %add3A_80 = arith.constant 30875 : i32
      %add3A_81 = arith.addi %mul3A_2, %add3A_80 : i32
      %dma_start3A_82 = arith.constant 0 : i32
      %dma_start3A_83 = tpu.memref_slice %arg6[%add3A_81, %dma_start3A_82] : memref<1000000x64xf32, #tpu.memory_space<hbm>> -> memref<125x64xf32, #tpu.memory_space<hbm>>
      %dma_start3A_84 = arith.constant 0 : i32
      %dma_start3A_85 = tpu.memref_slice %arg6[%add3A_81, %dma_start3A_84] : memref<1000000x64xf32, #tpu.memory_space<hbm>> -> memref<125x64xf32, #tpu.memory_space<hbm>>
      tpu.enqueue_dma source(%run_scoped3A_4 : memref<125x64xf32, #tpu.memory_space<vmem>>) target(%dma_start3A_85 : memref<125x64xf32, #tpu.memory_space<hbm>>) target_semaphore(%run_scoped3A_14 : memref<!tpu.dma_semaphore, #tpu.memory_space<semaphore_mem>>)
      %add3A_86 = arith.constant 31000 : i32
      %add3A_87 = arith.addi %mul3A_2, %add3A_86 : i32
      %dma_wait3A_88 = arith.constant 0 : i32
      %dma_wait3A_89 = tpu.memref_slice %arg2[%add3A_87, %dma_wait3A_88] : memref<1000000x64xf32, #tpu.memory_space<hbm>> -> memref<125x64xf32, #tpu.memory_space<hbm>>
      %dma_wait3A_90 = arith.constant 0 : i32
      %dma_wait3A_91 = tpu.memref_slice %arg2[%add3A_87, %dma_wait3A_90] : memref<1000000x64xf32, #tpu.memory_space<hbm>> -> memref<125x64xf32, #tpu.memory_space<hbm>>
      tpu.wait_dma2 semaphore(%run_scoped3A_10 : memref<!tpu.dma_semaphore, #tpu.memory_space<semaphore_mem>>) src(%dma_wait3A_91 : memref<125x64xf32, #tpu.memory_space<hbm>>) dst(%run_scoped3A_5 : memref<125x64xf32, #tpu.memory_space<vmem>>)
      %add3A_92 = arith.constant 31000 : i32
      %add3A_93 = arith.addi %mul3A_2, %add3A_92 : i32
      %dma_start3A_94 = arith.constant 0 : i32
      %dma_start3A_95 = tpu.memref_slice %arg6[%add3A_93, %dma_start3A_94] : memref<1000000x64xf32, #tpu.memory_space<hbm>> -> memref<125x64xf32, #tpu.memory_space<hbm>>
      %dma_start3A_96 = arith.constant 0 : i32
      %dma_start3A_97 = tpu.memref_slice %arg6[%add3A_93, %dma_start3A_96] : memref<1000000x64xf32, #tpu.memory_space<hbm>> -> memref<125x64xf32, #tpu.memory_space<hbm>>
      tpu.enqueue_dma source(%run_scoped3A_5 : memref<125x64xf32, #tpu.memory_space<vmem>>) target(%dma_start3A_97 : memref<125x64xf32, #tpu.memory_space<hbm>>) target_semaphore(%run_scoped3A_15 : memref<!tpu.dma_semaphore, #tpu.memory_space<semaphore_mem>>)
      %add3A_98 = arith.constant 31125 : i32
      %add3A_99 = arith.addi %mul3A_2, %add3A_98 : i32
      %dma_wait3A_100 = arith.constant 0 : i32
      %dma_wait3A_101 = tpu.memref_slice %arg2[%add3A_99, %dma_wait3A_100] : memref<1000000x64xf32, #tpu.memory_space<hbm>> -> memref<125x64xf32, #tpu.memory_space<hbm>>
      %dma_wait3A_102 = arith.constant 0 : i32
      %dma_wait3A_103 = tpu.memref_slice %arg2[%add3A_99, %dma_wait3A_102] : memref<1000000x64xf32, #tpu.memory_space<hbm>> -> memref<125x64xf32, #tpu.memory_space<hbm>>
      tpu.wait_dma2 semaphore(%run_scoped3A_11 : memref<!tpu.dma_semaphore, #tpu.memory_space<semaphore_mem>>) src(%dma_wait3A_103 : memref<125x64xf32, #tpu.memory_space<hbm>>) dst(%run_scoped3A_6 : memref<125x64xf32, #tpu.memory_space<vmem>>)
      %add3A_104 = arith.constant 31125 : i32
      %add3A_105 = arith.addi %mul3A_2, %add3A_104 : i32
      %dma_start3A_106 = arith.constant 0 : i32
      %dma_start3A_107 = tpu.memref_slice %arg6[%add3A_105, %dma_start3A_106] : memref<1000000x64xf32, #tpu.memory_space<hbm>> -> memref<125x64xf32, #tpu.memory_space<hbm>>
      %dma_start3A_108 = arith.constant 0 : i32
      %dma_start3A_109 = tpu.memref_slice %arg6[%add3A_105, %dma_start3A_108] : memref<1000000x64xf32, #tpu.memory_space<hbm>> -> memref<125x64xf32, #tpu.memory_space<hbm>>
      tpu.enqueue_dma source(%run_scoped3A_6 : memref<125x64xf32, #tpu.memory_space<vmem>>) target(%dma_start3A_109 : memref<125x64xf32, #tpu.memory_space<hbm>>) target_semaphore(%run_scoped3A_16 : memref<!tpu.dma_semaphore, #tpu.memory_space<semaphore_mem>>)
      %add3A_110 = arith.constant 30625 : i32
      %add3A_111 = arith.addi %mul3A_2, %add3A_110 : i32
      %dma_wait3A_112 = arith.constant 0 : i32
      %dma_wait3A_113 = tpu.memref_slice %arg6[%add3A_111, %dma_wait3A_112] : memref<1000000x64xf32, #tpu.memory_space<hbm>> -> memref<125x64xf32, #tpu.memory_space<hbm>>
      %dma_wait3A_114 = arith.constant 0 : i32
      %dma_wait3A_115 = tpu.memref_slice %arg6[%add3A_111, %dma_wait3A_114] : memref<1000000x64xf32, #tpu.memory_space<hbm>> -> memref<125x64xf32, #tpu.memory_space<hbm>>
      tpu.wait_dma2 semaphore(%run_scoped3A_12 : memref<!tpu.dma_semaphore, #tpu.memory_space<semaphore_mem>>) src(%run_scoped3A : memref<125x64xf32, #tpu.memory_space<vmem>>) dst(%dma_wait3A_115 : memref<125x64xf32, #tpu.memory_space<hbm>>)
      %add3A_116 = arith.constant 30750 : i32
      %add3A_117 = arith.addi %mul3A_2, %add3A_116 : i32
      %dma_wait3A_118 = arith.constant 0 : i32
      %dma_wait3A_119 = tpu.memref_slice %arg6[%add3A_117, %dma_wait3A_118] : memref<1000000x64xf32, #tpu.memory_space<hbm>> -> memref<125x64xf32, #tpu.memory_space<hbm>>
      %dma_wait3A_120 = arith.constant 0 : i32
      %dma_wait3A_121 = tpu.memref_slice %arg6[%add3A_117, %dma_wait3A_120] : memref<1000000x64xf32, #tpu.memory_space<hbm>> -> memref<125x64xf32, #tpu.memory_space<hbm>>
      tpu.wait_dma2 semaphore(%run_scoped3A_13 : memref<!tpu.dma_semaphore, #tpu.memory_space<semaphore_mem>>) src(%run_scoped3A_3 : memref<125x64xf32, #tpu.memory_space<vmem>>) dst(%dma_wait3A_121 : memref<125x64xf32, #tpu.memory_space<hbm>>)
      %add3A_122 = arith.constant 30875 : i32
      %add3A_123 = arith.addi %mul3A_2, %add3A_122 : i32
      %dma_wait3A_124 = arith.constant 0 : i32
      %dma_wait3A_125 = tpu.memref_slice %arg6[%add3A_123, %dma_wait3A_124] : memref<1000000x64xf32, #tpu.memory_space<hbm>> -> memref<125x64xf32, #tpu.memory_space<hbm>>
      %dma_wait3A_126 = arith.constant 0 : i32
      %dma_wait3A_127 = tpu.memref_slice %arg6[%add3A_123, %dma_wait3A_126] : memref<1000000x64xf32, #tpu.memory_space<hbm>> -> memref<125x64xf32, #tpu.memory_space<hbm>>
      tpu.wait_dma2 semaphore(%run_scoped3A_14 : memref<!tpu.dma_semaphore, #tpu.memory_space<semaphore_mem>>) src(%run_scoped3A_4 : memref<125x64xf32, #tpu.memory_space<vmem>>) dst(%dma_wait3A_127 : memref<125x64xf32, #tpu.memory_space<hbm>>)
      %add3A_128 = arith.constant 31000 : i32
      %add3A_129 = arith.addi %mul3A_2, %add3A_128 : i32
      %dma_wait3A_130 = arith.constant 0 : i32
      %dma_wait3A_131 = tpu.memref_slice %arg6[%add3A_129, %dma_wait3A_130] : memref<1000000x64xf32, #tpu.memory_space<hbm>> -> memref<125x64xf32, #tpu.memory_space<hbm>>
      %dma_wait3A_132 = arith.constant 0 : i32
      %dma_wait3A_133 = tpu.memref_slice %arg6[%add3A_129, %dma_wait3A_132] : memref<1000000x64xf32, #tpu.memory_space<hbm>> -> memref<125x64xf32, #tpu.memory_space<hbm>>
      tpu.wait_dma2 semaphore(%run_scoped3A_15 : memref<!tpu.dma_semaphore, #tpu.memory_space<semaphore_mem>>) src(%run_scoped3A_5 : memref<125x64xf32, #tpu.memory_space<vmem>>) dst(%dma_wait3A_133 : memref<125x64xf32, #tpu.memory_space<hbm>>)
      %add3A_134 = arith.constant 31125 : i32
      %add3A_135 = arith.addi %mul3A_2, %add3A_134 : i32
      %dma_wait3A_136 = arith.constant 0 : i32
      %dma_wait3A_137 = tpu.memref_slice %arg6[%add3A_135, %dma_wait3A_136] : memref<1000000x64xf32, #tpu.memory_space<hbm>> -> memref<125x64xf32, #tpu.memory_space<hbm>>
      %dma_wait3A_138 = arith.constant 0 : i32
      %dma_wait3A_139 = tpu.memref_slice %arg6[%add3A_135, %dma_wait3A_138] : memref<1000000x64xf32, #tpu.memory_space<hbm>> -> memref<125x64xf32, #tpu.memory_space<hbm>>
      tpu.wait_dma2 semaphore(%run_scoped3A_16 : memref<!tpu.dma_semaphore, #tpu.memory_space<semaphore_mem>>) src(%run_scoped3A_6 : memref<125x64xf32, #tpu.memory_space<vmem>>) dst(%dma_wait3A_139 : memref<125x64xf32, #tpu.memory_space<hbm>>)
      tpu.yield
    }) : () -> ()
    "tpu.region"() ({
      %run_scoped3A = memref.alloca() : memref<16384xi32, #tpu.memory_space<vmem>>
      %run_scoped3A_3 = memref.alloca() : memref<16400xi32, #tpu.memory_space<vmem>>
      %run_scoped3A_4 = memref.alloca() : memref<512xi32, #tpu.memory_space<vmem>>
      %run_scoped3A_5 = memref.alloca() : memref<512xi32, #tpu.memory_space<vmem>>
      %run_scoped3A_6 = memref.alloca() : memref<512x64xf32, #tpu.memory_space<vmem>>
      %run_scoped3A_7 = tpu.sem_alloc : memref<!tpu.dma_semaphore, #tpu.memory_space<semaphore_mem>>
      %add3A_8 = arith.constant 31250 : i32
      %add3A_9 = arith.addi %mul3A_2, %add3A_8 : i32
      "tpu.region"() ({
        %run_scoped3A_83 = tpu.sem_alloc : memref<!tpu.dma_semaphore, #tpu.memory_space<semaphore_mem>>
        tpu.enqueue_dma source(%arg3 : memref<16384xi32, #tpu.memory_space<hbm>>) target(%run_scoped3A : memref<16384xi32, #tpu.memory_space<vmem>>) target_semaphore(%run_scoped3A_83 : memref<!tpu.dma_semaphore, #tpu.memory_space<semaphore_mem>>)
        tpu.wait_dma2 semaphore(%run_scoped3A_83 : memref<!tpu.dma_semaphore, #tpu.memory_space<semaphore_mem>>) src(%arg3 : memref<16384xi32, #tpu.memory_space<hbm>>) dst(%run_scoped3A : memref<16384xi32, #tpu.memory_space<vmem>>)
        tpu.yield
      }) : () -> ()
      %get3A = arith.constant 0 : index
      %get3A_10 = tpu.vector_load %run_scoped3A[%get3A] {strides = array<i32>} : memref<16384xi32, #tpu.memory_space<vmem>>, vector<16xi32>,
      %slice3A = vector.extract_strided_slice %get3A_10 {offsets = [0], sizes = [1], strides = [1]} : vector<16xi32> to vector<1xi32>
      %squeeze3A = vector.extract %slice3A[0] : i32 from vector<1xi32>
      %scan3A = arith.constant 0 : i32
      %scan3A_11 = arith.constant 0 : i32
      %scan3A_12 = arith.constant 1024 : i32
      %scan3A_13 = arith.addi %scan3A_11, %scan3A_12 : i32
      %scan3A_14 = arith.constant 1 : i32
      %scan3A_15 = scf.for %scan3A_83 = %scan3A_11 to %scan3A_13 step %scan3A_14 iter_args(%scan3A_84 = %scan3A) -> (i32)  : i32 {
        %mul3A_85 = arith.constant 16 : i32
        %mul3A_86 = arith.muli %scan3A_83, %mul3A_85 : i32
        %get3A_87 = arith.index_cast %mul3A_86 : i32 to index
        %get3A_88 = tpu.vector_load %run_scoped3A[%get3A_87] {strides = array<i32>} : memref<16384xi32, #tpu.memory_space<vmem>>, vector<16xi32>,
        %ge3A = vector.broadcast %mul3A_2 : i32 to vector<16xi32>
        %ge3A_89 = arith.cmpi sge, %get3A_88, %ge3A : vector<16xi32>
        %lt3A_90 = vector.broadcast %add3A_9 : i32 to vector<16xi32>
        %lt3A_91 = arith.cmpi slt, %get3A_88, %lt3A_90 : vector<16xi32>
        %and3A_92 = arith.andi %ge3A_89, %lt3A_91 : vector<16xi1>
        %swap3A_93 = arith.index_cast %scan3A_84 : i32 to index
        %swap3A_94 = tpu.vector_load %run_scoped3A_3[%swap3A_93] masked %and3A_92 {strides = array<i32>} : memref<16400xi32, #tpu.memory_space<vmem>>, vector<16xi32>, vector<16xi1>
        tpu.vector_store %run_scoped3A_3[%swap3A_93], %get3A_88 masked %and3A_92 {strides = array<i32>} : memref<16400xi32, #tpu.memory_space<vmem>>, vector<16xi32>, vector<16xi1>
        %all_reduce_population_count3A = tpu.all_reduce %and3A_92 {dim = 0 : i64, kind = #tpu.reduction_kind<sum>} : vector<16xi1> -> vector<16xi32>
        %reduce_max3A = arith.constant true
        %reduce_max3A_95 = vector.broadcast %reduce_max3A : i1 to vector<16xi1>
        %reduce_max3A_96 = arith.constant -2147483648 : i32
        %reduce_max3A_97 = vector.broadcast %reduce_max3A_96 : i32 to vector<16xi32>
        %reduce_max3A_98 = arith.xori %all_reduce_population_count3A, %reduce_max3A_97 : vector<16xi32>
        %reduce_max3A_99 = tpu.scan <max>, %reduce_max3A_98 masked %reduce_max3A_95 : vector<16xi32>, vector<16xi1> -> vector<16xi32>
        %reduce_max3A_100 = arith.xori %reduce_max3A_99, %reduce_max3A_97 : vector<16xi32>
        %reduce_max3A_101 = vector.extract %reduce_max3A_100[15] : i32 from vector<16xi32>
        %add3A_102 = arith.addi %scan3A_84, %reduce_max3A_101 : i32
        scf.yield %add3A_102 : i32
      }
      %scan3A_16 = arith.constant 1024 : i32
      %add3A_17 = arith.constant 512 : i32
      %add3A_18 = arith.addi %scan3A_15, %add3A_17 : i32
      %sub3A = arith.constant 1 : i32
      %sub3A_19 = arith.subi %add3A_18, %sub3A : i32
      %jit3A = arith.constant 512 : i32
      %div3A = arith.divsi %sub3A_19, %jit3A : i32
      %sign3A = arith.constant 0 : i32
      %sign3A_20 = arith.cmpi sgt, %sub3A_19, %sign3A : i32
      %sign3A_21 = arith.extui %sign3A_20 : i1 to i32
      %sign3A_22 = arith.constant 0 : i32
      %sign3A_23 = arith.cmpi slt, %sub3A_19, %sign3A_22 : i32
      %sign3A_24 = arith.extui %sign3A_23 : i1 to i32
      %sign3A_25 = arith.subi %sign3A_21, %sign3A_24 : i32
      %sign3A_26 = arith.constant 0 : i32
      %sign3A_27 = arith.cmpi sgt, %jit3A, %sign3A_26 : i32
      %sign3A_28 = arith.extui %sign3A_27 : i1 to i32
      %sign3A_29 = arith.constant 0 : i32
      %sign3A_30 = arith.cmpi slt, %jit3A, %sign3A_29 : i32
      %sign3A_31 = arith.extui %sign3A_30 : i1 to i32
      %sign3A_32 = arith.subi %sign3A_28, %sign3A_31 : i32
      %ne3A = arith.cmpi ne, %sign3A_25, %sign3A_32 : i32
      %rem3A = arith.remsi %sub3A_19, %jit3A : i32
      %ne3A_33 = arith.constant 0 : i32
      %ne3A_34 = arith.cmpi ne, %rem3A, %ne3A_33 : i32
      %and3A = arith.andi %ne3A, %ne3A_34 : i1
      %sub3A_35 = arith.constant 1 : i32
      %sub3A_36 = arith.subi %div3A, %sub3A_35 : i32
      %select_n3A = arith.select %and3A, %sub3A_36, %div3A : i32
      %mul3A_37 = arith.constant 512 : i32
      %mul3A_38 = arith.muli %select_n3A, %mul3A_37 : i32
      %iota3A = tpu.iota {dimensions = array<i32: 0>} : vector<16xi32>
      %jit3A_39 = arith.constant 16 : i32
      %div3A_40 = arith.divsi %scan3A_15, %jit3A_39 : i32
      %sign3A_41 = arith.constant 0 : i32
      %sign3A_42 = arith.cmpi sgt, %scan3A_15, %sign3A_41 : i32
      %sign3A_43 = arith.extui %sign3A_42 : i1 to i32
      %sign3A_44 = arith.constant 0 : i32
      %sign3A_45 = arith.cmpi slt, %scan3A_15, %sign3A_44 : i32
      %sign3A_46 = arith.extui %sign3A_45 : i1 to i32
      %sign3A_47 = arith.subi %sign3A_43, %sign3A_46 : i32
      %sign3A_48 = arith.constant 0 : i32
      %sign3A_49 = arith.cmpi sgt, %jit3A_39, %sign3A_48 : i32
      %sign3A_50 = arith.extui %sign3A_49 : i1 to i32
      %sign3A_51 = arith.constant 0 : i32
      %sign3A_52 = arith.cmpi slt, %jit3A_39, %sign3A_51 : i32
      %sign3A_53 = arith.extui %sign3A_52 : i1 to i32
      %sign3A_54 = arith.subi %sign3A_50, %sign3A_53 : i32
      %ne3A_55 = arith.cmpi ne, %sign3A_47, %sign3A_54 : i32
      %rem3A_56 = arith.remsi %scan3A_15, %jit3A_39 : i32
      %ne3A_57 = arith.constant 0 : i32
      %ne3A_58 = arith.cmpi ne, %rem3A_56, %ne3A_57 : i32
      %and3A_59 = arith.andi %ne3A_55, %ne3A_58 : i1
      %sub3A_60 = arith.constant 1 : i32
      %sub3A_61 = arith.subi %div3A_40, %sub3A_60 : i32
      %select_n3A_62 = arith.select %and3A_59, %sub3A_61, %div3A_40 : i32
      %mul3A_63 = arith.constant 16 : i32
      %mul3A_64 = arith.muli %select_n3A_62, %mul3A_63 : i32
      %get3A_65 = arith.index_cast %mul3A_64 : i32 to index
      %get3A_66 = tpu.vector_load %run_scoped3A_3[%get3A_65] {strides = array<i32>} : memref<16400xi32, #tpu.memory_space<vmem>>, vector<16xi32>,
      %sub3A_67 = arith.subi %scan3A_15, %mul3A_64 : i32
      %lt3A = vector.broadcast %sub3A_67 : i32 to vector<16xi32>
      %lt3A_68 = arith.cmpi slt, %iota3A, %lt3A : vector<16xi32>
      %broadcast_in_dim3A = vector.broadcast %squeeze3A : i32 to vector<16xi32>
      %select_n3A_69 = arith.select %lt3A_68, %get3A_66, %broadcast_in_dim3A : vector<16xi1>, vector<16xi32>
      %swap3A = arith.index_cast %mul3A_64 : i32 to index
      %swap3A_70 = tpu.vector_load %run_scoped3A_3[%swap3A] {strides = array<i32>} : memref<16400xi32, #tpu.memory_space<vmem>>, vector<16xi32>,
      tpu.vector_store %run_scoped3A_3[%swap3A], %select_n3A_69 {strides = array<i32>} : memref<16400xi32, #tpu.memory_space<vmem>>, vector<16xi32>,
      %add3A_71 = arith.constant 16 : i32
      %add3A_72 = arith.addi %mul3A_64, %add3A_71 : i32
      %while3A = scf.while (%while3A_83 = %add3A_72) : (i32) -> i32 {
        %lt3A_84 = arith.cmpi slt, %while3A_83, %mul3A_38 : i32
        scf.condition(%lt3A_84) %while3A_83 : i32
      } do {
      ^bb0(%while3A_83: i32):
        %broadcast_in_dim3A_84 = vector.broadcast %squeeze3A : i32 to vector<16xi32>
        %swap3A_85 = arith.index_cast %while3A_83 : i32 to index
        %swap3A_86 = tpu.vector_load %run_scoped3A_3[%swap3A_85] {strides = array<i32>} : memref<16400xi32, #tpu.memory_space<vmem>>, vector<16xi32>,
        tpu.vector_store %run_scoped3A_3[%swap3A_85], %broadcast_in_dim3A_84 {strides = array<i32>} : memref<16400xi32, #tpu.memory_space<vmem>>, vector<16xi32>,
        %add3A_87 = arith.constant 16 : i32
        %add3A_88 = arith.addi %while3A_83, %add3A_87 : i32
        scf.yield %add3A_88 : i32
      }
      %while3A_73 = arith.constant 0 : i32
      %while3A_74 = arith.constant 0 : i32
      %while3A_75 = arith.subi %select_n3A, %while3A_74 : i32
      %while3A_76 = arith.addi %while3A_74, %while3A_75 : i32
      %while3A_77 = arith.constant 1 : i32
      %while3A_78 = arith.divsi %while3A_75, %while3A_77 : i32
      %while3A_79 = arith.muli %while3A_78, %while3A_77 : i32
      %while3A_80 = arith.addi %while3A_74, %while3A_79 : i32
      %while3A_81 = arith.constant 1 : i32
      scf.for %while3A_83 = %while3A_74 to %while3A_80 step %while3A_81  : i32 {
        %scan3A_84 = arith.constant 0 : i32
        %scan3A_85 = arith.constant 0 : i32
        %scan3A_86 = arith.constant 32 : i32
        %scan3A_87 = arith.addi %scan3A_85, %scan3A_86 : i32
        %scan3A_88 = arith.constant 1 : i32
        scf.for %scan3A_104 = %scan3A_85 to %scan3A_87 step %scan3A_88  : i32 {
          %mul3A_105 = arith.constant 512 : i32
          %mul3A_106 = arith.muli %while3A_83, %mul3A_105 : i32
          %mul3A_107 = arith.constant 16 : i32
          %mul3A_108 = arith.muli %scan3A_104, %mul3A_107 : i32
          %add3A_109 = arith.addi %mul3A_106, %mul3A_108 : i32
          %get3A_110 = arith.index_cast %add3A_109 : i32 to index
          %get3A_111 = tpu.vector_load %run_scoped3A_3[%get3A_110] {strides = array<i32>} : memref<16400xi32, #tpu.memory_space<vmem>>, vector<16xi32>,
          %mul3A_112 = arith.constant 16 : i32
          %mul3A_113 = arith.muli %scan3A_104, %mul3A_112 : i32
          %swap3A_114 = arith.index_cast %mul3A_113 : i32 to index
          %swap3A_115 = tpu.vector_load %run_scoped3A_4[%swap3A_114] {strides = array<i32>} : memref<512xi32, #tpu.memory_space<vmem>>, vector<16xi32>,
          tpu.vector_store %run_scoped3A_4[%swap3A_114], %get3A_111 {strides = array<i32>} : memref<512xi32, #tpu.memory_space<vmem>>, vector<16xi32>,
        }
        %scan3A_89 = arith.constant 32 : i32
        %dma_start3A = arith.constant 0 : i32
        %dma_start3A_90 = tpu.memref_slice %arg4[%dma_start3A] : memref<1000192xi32, #tpu.memory_space<hbm>> -> memref<1000192xi32, #tpu.memory_space<hbm>>
        tpu.enqueue_indirect_dma source(%dma_start3A_90 : memref<1000192xi32, #tpu.memory_space<hbm>>) target(%run_scoped3A_5 : memref<512xi32, #tpu.memory_space<vmem>>) offsets(%run_scoped3A_4 : memref<512xi32, #tpu.memory_space<vmem>>) semaphore(%run_scoped3A_7 : memref<!tpu.dma_semaphore, #tpu.memory_space<semaphore_mem>>)
        %dma_wait3A = arith.constant 0 : i32
        %dma_wait3A_91 = tpu.memref_slice %arg4[%dma_wait3A] : memref<1000192xi32, #tpu.memory_space<hbm>> -> memref<1000192xi32, #tpu.memory_space<hbm>>
        tpu.wait_indirect_dma semaphore(%run_scoped3A_7 : memref<!tpu.dma_semaphore, #tpu.memory_space<semaphore_mem>>) src(%dma_wait3A_91 : memref<1000192xi32, #tpu.memory_space<hbm>>) dst(%run_scoped3A_5 : memref<512xi32, #tpu.memory_space<vmem>>)
        %dma_start3A_92 = arith.constant 0 : i32
        %dma_start3A_93 = arith.constant 0 : i32
        %dma_start3A_94 = tpu.memref_slice %arg5[%dma_start3A_92, %dma_start3A_93] : memref<16384x64xf32, #tpu.memory_space<hbm>> -> memref<16384x64xf32, #tpu.memory_space<hbm>>
        tpu.enqueue_indirect_dma source(%dma_start3A_94 : memref<16384x64xf32, #tpu.memory_space<hbm>>) target(%run_scoped3A_6 : memref<512x64xf32, #tpu.memory_space<vmem>>) offsets(%run_scoped3A_5 : memref<512xi32, #tpu.memory_space<vmem>>) semaphore(%run_scoped3A_7 : memref<!tpu.dma_semaphore, #tpu.memory_space<semaphore_mem>>)
        %dma_wait3A_95 = arith.constant 0 : i32
        %dma_wait3A_96 = arith.constant 0 : i32
        %dma_wait3A_97 = tpu.memref_slice %arg5[%dma_wait3A_95, %dma_wait3A_96] : memref<16384x64xf32, #tpu.memory_space<hbm>> -> memref<16384x64xf32, #tpu.memory_space<hbm>>
        tpu.wait_indirect_dma semaphore(%run_scoped3A_7 : memref<!tpu.dma_semaphore, #tpu.memory_space<semaphore_mem>>) src(%dma_wait3A_97 : memref<16384x64xf32, #tpu.memory_space<hbm>>) dst(%run_scoped3A_6 : memref<512x64xf32, #tpu.memory_space<vmem>>)
        %dma_start3A_98 = arith.constant 0 : i32
        %dma_start3A_99 = arith.constant 0 : i32
        %dma_start3A_100 = tpu.memref_slice %arg6[%dma_start3A_98, %dma_start3A_99] : memref<1000000x64xf32, #tpu.memory_space<hbm>> -> memref<1000000x64xf32, #tpu.memory_space<hbm>>
        tpu.enqueue_indirect_dma source(%run_scoped3A_6 : memref<512x64xf32, #tpu.memory_space<vmem>>) target(%dma_start3A_100 : memref<1000000x64xf32, #tpu.memory_space<hbm>>) offsets(%run_scoped3A_4 : memref<512xi32, #tpu.memory_space<vmem>>) semaphore(%run_scoped3A_7 : memref<!tpu.dma_semaphore, #tpu.memory_space<semaphore_mem>>)
        %dma_wait3A_101 = arith.constant 0 : i32
        %dma_wait3A_102 = arith.constant 0 : i32
        %dma_wait3A_103 = tpu.memref_slice %arg6[%dma_wait3A_101, %dma_wait3A_102] : memref<1000000x64xf32, #tpu.memory_space<hbm>> -> memref<1000000x64xf32, #tpu.memory_space<hbm>>
        tpu.wait_indirect_dma semaphore(%run_scoped3A_7 : memref<!tpu.dma_semaphore, #tpu.memory_space<semaphore_mem>>) src(%run_scoped3A_6 : memref<512x64xf32, #tpu.memory_space<vmem>>) dst(%dma_wait3A_103 : memref<1000000x64xf32, #tpu.memory_space<hbm>>)
      }
      %while3A_82 = arith.constant 1 : i32
      scf.for %while3A_83 = %while3A_80 to %while3A_76 step %while3A_82  : i32 {
        %scan3A_84 = arith.constant 0 : i32
        %scan3A_85 = arith.constant 0 : i32
        %scan3A_86 = arith.constant 32 : i32
        %scan3A_87 = arith.addi %scan3A_85, %scan3A_86 : i32
        %scan3A_88 = arith.constant 1 : i32
        scf.for %scan3A_104 = %scan3A_85 to %scan3A_87 step %scan3A_88  : i32 {
          %mul3A_105 = arith.constant 512 : i32
          %mul3A_106 = arith.muli %while3A_83, %mul3A_105 : i32
          %mul3A_107 = arith.constant 16 : i32
          %mul3A_108 = arith.muli %scan3A_104, %mul3A_107 : i32
          %add3A_109 = arith.addi %mul3A_106, %mul3A_108 : i32
          %get3A_110 = arith.index_cast %add3A_109 : i32 to index
          %get3A_111 = tpu.vector_load %run_scoped3A_3[%get3A_110] {strides = array<i32>} : memref<16400xi32, #tpu.memory_space<vmem>>, vector<16xi32>,
          %mul3A_112 = arith.constant 16 : i32
          %mul3A_113 = arith.muli %scan3A_104, %mul3A_112 : i32
          %swap3A_114 = arith.index_cast %mul3A_113 : i32 to index
          %swap3A_115 = tpu.vector_load %run_scoped3A_4[%swap3A_114] {strides = array<i32>} : memref<512xi32, #tpu.memory_space<vmem>>, vector<16xi32>,
          tpu.vector_store %run_scoped3A_4[%swap3A_114], %get3A_111 {strides = array<i32>} : memref<512xi32, #tpu.memory_space<vmem>>, vector<16xi32>,
        }
        %scan3A_89 = arith.constant 32 : i32
        %dma_start3A = arith.constant 0 : i32
        %dma_start3A_90 = tpu.memref_slice %arg4[%dma_start3A] : memref<1000192xi32, #tpu.memory_space<hbm>> -> memref<1000192xi32, #tpu.memory_space<hbm>>
        tpu.enqueue_indirect_dma source(%dma_start3A_90 : memref<1000192xi32, #tpu.memory_space<hbm>>) target(%run_scoped3A_5 : memref<512xi32, #tpu.memory_space<vmem>>) offsets(%run_scoped3A_4 : memref<512xi32, #tpu.memory_space<vmem>>) semaphore(%run_scoped3A_7 : memref<!tpu.dma_semaphore, #tpu.memory_space<semaphore_mem>>)
        %dma_wait3A = arith.constant 0 : i32
        %dma_wait3A_91 = tpu.memref_slice %arg4[%dma_wait3A] : memref<1000192xi32, #tpu.memory_space<hbm>> -> memref<1000192xi32, #tpu.memory_space<hbm>>
        tpu.wait_indirect_dma semaphore(%run_scoped3A_7 : memref<!tpu.dma_semaphore, #tpu.memory_space<semaphore_mem>>) src(%dma_wait3A_91 : memref<1000192xi32, #tpu.memory_space<hbm>>) dst(%run_scoped3A_5 : memref<512xi32, #tpu.memory_space<vmem>>)
        %dma_start3A_92 = arith.constant 0 : i32
        %dma_start3A_93 = arith.constant 0 : i32
        %dma_start3A_94 = tpu.memref_slice %arg5[%dma_start3A_92, %dma_start3A_93] : memref<16384x64xf32, #tpu.memory_space<hbm>> -> memref<16384x64xf32, #tpu.memory_space<hbm>>
        tpu.enqueue_indirect_dma source(%dma_start3A_94 : memref<16384x64xf32, #tpu.memory_space<hbm>>) target(%run_scoped3A_6 : memref<512x64xf32, #tpu.memory_space<vmem>>) offsets(%run_scoped3A_5 : memref<512xi32, #tpu.memory_space<vmem>>) semaphore(%run_scoped3A_7 : memref<!tpu.dma_semaphore, #tpu.memory_space<semaphore_mem>>)
        %dma_wait3A_95 = arith.constant 0 : i32
        %dma_wait3A_96 = arith.constant 0 : i32
        %dma_wait3A_97 = tpu.memref_slice %arg5[%dma_wait3A_95, %dma_wait3A_96] : memref<16384x64xf32, #tpu.memory_space<hbm>> -> memref<16384x64xf32, #tpu.memory_space<hbm>>
        tpu.wait_indirect_dma semaphore(%run_scoped3A_7 : memref<!tpu.dma_semaphore, #tpu.memory_space<semaphore_mem>>) src(%dma_wait3A_97 : memref<16384x64xf32, #tpu.memory_space<hbm>>) dst(%run_scoped3A_6 : memref<512x64xf32, #tpu.memory_space<vmem>>)
        %dma_start3A_98 = arith.constant 0 : i32
        %dma_start3A_99 = arith.constant 0 : i32
        %dma_start3A_100 = tpu.memref_slice %arg6[%dma_start3A_98, %dma_start3A_99] : memref<1000000x64xf32, #tpu.memory_space<hbm>> -> memref<1000000x64xf32, #tpu.memory_space<hbm>>
        tpu.enqueue_indirect_dma source(%run_scoped3A_6 : memref<512x64xf32, #tpu.memory_space<vmem>>) target(%dma_start3A_100 : memref<1000000x64xf32, #tpu.memory_space<hbm>>) offsets(%run_scoped3A_4 : memref<512xi32, #tpu.memory_space<vmem>>) semaphore(%run_scoped3A_7 : memref<!tpu.dma_semaphore, #tpu.memory_space<semaphore_mem>>)
        %dma_wait3A_101 = arith.constant 0 : i32
        %dma_wait3A_102 = arith.constant 0 : i32
        %dma_wait3A_103 = tpu.memref_slice %arg6[%dma_wait3A_101, %dma_wait3A_102] : memref<1000000x64xf32, #tpu.memory_space<hbm>> -> memref<1000000x64xf32, #tpu.memory_space<hbm>>
        tpu.wait_indirect_dma semaphore(%run_scoped3A_7 : memref<!tpu.dma_semaphore, #tpu.memory_space<semaphore_mem>>) src(%run_scoped3A_6 : memref<512x64xf32, #tpu.memory_space<vmem>>) dst(%dma_wait3A_103 : memref<1000000x64xf32, #tpu.memory_space<hbm>>)
      }
      tpu.yield
    }) : () -> ()
    return
  }
}

module attributes {stable_mosaic.version = 14 : i64} {
  func.func @_gru_body(%arg0: i32, %arg1: memref<2048x64xf32, #tpu.memory_space<vmem>>, %arg2: memref<2048x64xf32, #tpu.memory_space<vmem>>, %arg3: memref<192x64xf32, #tpu.memory_space<vmem>>, %arg4: memref<192x64xf32, #tpu.memory_space<vmem>>, %arg5: memref<1x192xf32, #tpu.memory_space<vmem>>, %arg6: memref<1x192xf32, #tpu.memory_space<vmem>>, %arg7: memref<2048x64xf32, #tpu.memory_space<vmem>>) attributes {dimension_semantics = [#tpu.dimension_semantics<arbitrary>], iteration_bounds = array<i64: 8>, scalar_prefetch = 0 : i64, scratch_operands = 0 : i64, tpu.core_type = #tpu.core_type<tc>, window_params = [{transform_indices = @transform_0, window_bounds = array<i64: 2048, 64>}, {transform_indices = @transform_1, window_bounds = array<i64: 2048, 64>}, {pipeline_mode = #tpu.pipeline_mode<synchronous>, transform_indices = @transform_2, window_bounds = array<i64: 192, 64>}, {pipeline_mode = #tpu.pipeline_mode<synchronous>, transform_indices = @transform_3, window_bounds = array<i64: 192, 64>}, {pipeline_mode = #tpu.pipeline_mode<synchronous>, transform_indices = @transform_4, window_bounds = array<i64: 1, 192>}, {pipeline_mode = #tpu.pipeline_mode<synchronous>, transform_indices = @transform_5, window_bounds = array<i64: 1, 192>}, {transform_indices = @transform_6, window_bounds = array<i64: 2048, 64>}]} {
    %get3A = arith.constant 0 : index
    %get3A_0 = arith.constant 0 : index
    %get3A_1 = vector.load %arg1[%get3A, %get3A_0] : memref<2048x64xf32, #tpu.memory_space<vmem>>, vector<2048x64xf32>
    %get3A_2 = arith.constant 0 : index
    %get3A_3 = arith.constant 0 : index
    %get3A_4 = vector.load %arg2[%get3A_2, %get3A_3] : memref<2048x64xf32, #tpu.memory_space<vmem>>, vector<2048x64xf32>
    %get3A_5 = arith.constant 0 : index
    %get3A_6 = arith.constant 0 : index
    %get3A_7 = vector.load %arg3[%get3A_5, %get3A_6] : memref<192x64xf32, #tpu.memory_space<vmem>>, vector<192x64xf32>
    %dot_general3A = arith.constant dense<0.000000e+00> : vector<2048x192xf32>
    %dot_general3A_8 = tpu.matmul %get3A_1, %get3A_7, %dot_general3A {dimension_numbers = #tpu.dot_dimension_numbers<[1], [1], [0], [0], [0, 0, 1, 0], [], []>, transpose_lhs_hint = false} : vector<2048x64xf32>, vector<192x64xf32>, vector<2048x192xf32> -> vector<2048x192xf32>
    %get3A_9 = arith.constant 0 : index
    %get3A_10 = arith.constant 0 : index
    %get3A_11 = vector.load %arg5[%get3A_9, %get3A_10] : memref<1x192xf32, #tpu.memory_space<vmem>>, vector<1x192xf32>
    %add3A = vector.broadcast %get3A_11 : vector<1x192xf32> to vector<2048x192xf32>
    %add3A_12 = arith.addf %dot_general3A_8, %add3A : vector<2048x192xf32>
    %get3A_13 = arith.constant 0 : index
    %get3A_14 = arith.constant 0 : index
    %get3A_15 = vector.load %arg4[%get3A_13, %get3A_14] : memref<192x64xf32, #tpu.memory_space<vmem>>, vector<192x64xf32>
    %dot_general3A_16 = arith.constant dense<0.000000e+00> : vector<2048x192xf32>
    %dot_general3A_17 = tpu.matmul %get3A_4, %get3A_15, %dot_general3A_16 {dimension_numbers = #tpu.dot_dimension_numbers<[1], [1], [0], [0], [0, 0, 1, 0], [], []>, transpose_lhs_hint = false} : vector<2048x64xf32>, vector<192x64xf32>, vector<2048x192xf32> -> vector<2048x192xf32>
    %get3A_18 = arith.constant 0 : index
    %get3A_19 = arith.constant 0 : index
    %get3A_20 = vector.load %arg6[%get3A_18, %get3A_19] : memref<1x192xf32, #tpu.memory_space<vmem>>, vector<1x192xf32>
    %add3A_21 = vector.broadcast %get3A_20 : vector<1x192xf32> to vector<2048x192xf32>
    %add3A_22 = arith.addf %dot_general3A_17, %add3A_21 : vector<2048x192xf32>
    %slice3A = vector.extract_strided_slice %add3A_12 {offsets = [0, 0], sizes = [2048, 64], strides = [1, 1]} : vector<2048x192xf32> to vector<2048x64xf32>
    %slice3A_23 = vector.extract_strided_slice %add3A_22 {offsets = [0, 0], sizes = [2048, 64], strides = [1, 1]} : vector<2048x192xf32> to vector<2048x64xf32>
    %add3A_24 = arith.addf %slice3A, %slice3A_23 : vector<2048x64xf32>
    %logistic3A = arith.negf %add3A_24 : vector<2048x64xf32>
    %logistic3A_25 = math.exp %logistic3A : vector<2048x64xf32>
    %logistic3A_26 = arith.constant 1.000000e+00 : f32
    %logistic3A_27 = vector.broadcast %logistic3A_26 : f32 to vector<2048x64xf32>
    %logistic3A_28 = arith.addf %logistic3A_27, %logistic3A_25 : vector<2048x64xf32>
    %logistic3A_29 = arith.divf %logistic3A_27, %logistic3A_28 : vector<2048x64xf32>
    %slice3A_30 = vector.extract_strided_slice %add3A_12 {offsets = [0, 64], sizes = [2048, 64], strides = [1, 1]} : vector<2048x192xf32> to vector<2048x64xf32>
    %slice3A_31 = vector.extract_strided_slice %add3A_22 {offsets = [0, 64], sizes = [2048, 64], strides = [1, 1]} : vector<2048x192xf32> to vector<2048x64xf32>
    %add3A_32 = arith.addf %slice3A_30, %slice3A_31 : vector<2048x64xf32>
    %logistic3A_33 = arith.negf %add3A_32 : vector<2048x64xf32>
    %logistic3A_34 = math.exp %logistic3A_33 : vector<2048x64xf32>
    %logistic3A_35 = arith.constant 1.000000e+00 : f32
    %logistic3A_36 = vector.broadcast %logistic3A_35 : f32 to vector<2048x64xf32>
    %logistic3A_37 = arith.addf %logistic3A_36, %logistic3A_34 : vector<2048x64xf32>
    %logistic3A_38 = arith.divf %logistic3A_36, %logistic3A_37 : vector<2048x64xf32>
    %slice3A_39 = vector.extract_strided_slice %add3A_12 {offsets = [0, 128], sizes = [2048, 64], strides = [1, 1]} : vector<2048x192xf32> to vector<2048x64xf32>
    %slice3A_40 = vector.extract_strided_slice %add3A_22 {offsets = [0, 128], sizes = [2048, 64], strides = [1, 1]} : vector<2048x192xf32> to vector<2048x64xf32>
    %mul3A = arith.mulf %logistic3A_29, %slice3A_40 : vector<2048x64xf32>
    %add3A_41 = arith.addf %slice3A_39, %mul3A : vector<2048x64xf32>
    %tanh3A = math.tanh %add3A_41 : vector<2048x64xf32>
    %sub3A = arith.constant 1.000000e+00 : f32
    %sub3A_42 = vector.broadcast %sub3A : f32 to vector<2048x64xf32>
    %sub3A_43 = arith.subf %sub3A_42, %logistic3A_38 : vector<2048x64xf32>
    %mul3A_44 = arith.mulf %sub3A_43, %tanh3A : vector<2048x64xf32>
    %mul3A_45 = arith.mulf %logistic3A_38, %get3A_4 : vector<2048x64xf32>
    %add3A_46 = arith.addf %mul3A_44, %mul3A_45 : vector<2048x64xf32>
    %swap3A = arith.constant 0 : index
    %swap3A_47 = arith.constant 0 : index
    %swap3A_48 = vector.load %arg7[%swap3A, %swap3A_47] : memref<2048x64xf32, #tpu.memory_space<vmem>>, vector<2048x64xf32>
    tpu.vector_store %arg7[%swap3A, %swap3A_47], %add3A_46 {strides = array<i32>} : memref<2048x64xf32, #tpu.memory_space<vmem>>, vector<2048x64xf32>,
    return
  }
  func.func @transform_0(%arg0: i32) -> (i32, i32) {
    %c0_i32 = arith.constant 0 : i32
    %c0_i32_0 = arith.constant 0 : i32
    return %arg0, %c0_i32 : i32, i32
  }
  func.func @transform_1(%arg0: i32) -> (i32, i32) {
    %c0_i32 = arith.constant 0 : i32
    %c0_i32_0 = arith.constant 0 : i32
    return %arg0, %c0_i32 : i32, i32
  }
  func.func @transform_2(%arg0: i32) -> (i32, i32) {
    %c0_i32 = arith.constant 0 : i32
    %c0_i32_0 = arith.constant 0 : i32
    %c0_i32_1 = arith.constant 0 : i32
    return %c0_i32, %c0_i32_0 : i32, i32
  }
  func.func @transform_3(%arg0: i32) -> (i32, i32) {
    %c0_i32 = arith.constant 0 : i32
    %c0_i32_0 = arith.constant 0 : i32
    %c0_i32_1 = arith.constant 0 : i32
    return %c0_i32, %c0_i32_0 : i32, i32
  }
  func.func @transform_4(%arg0: i32) -> (i32, i32) {
    %c0_i32 = arith.constant 0 : i32
    %c0_i32_0 = arith.constant 0 : i32
    %c0_i32_1 = arith.constant 0 : i32
    return %c0_i32, %c0_i32_0 : i32, i32
  }
  func.func @transform_5(%arg0: i32) -> (i32, i32) {
    %c0_i32 = arith.constant 0 : i32
    %c0_i32_0 = arith.constant 0 : i32
    %c0_i32_1 = arith.constant 0 : i32
    return %c0_i32, %c0_i32_0 : i32, i32
  }
  func.func @transform_6(%arg0: i32) -> (i32, i32) {
    %c0_i32 = arith.constant 0 : i32
    %c0_i32_0 = arith.constant 0 : i32
    return %arg0, %c0_i32 : i32, i32
  }
}

</mosaic_0001>

<sc_bundles>
// kernel: kernel.5.cloned.1.call-start
scs
__scs_entry_jumppad:
0x0: {  	(pc) =	sbr.rel $0x88, $3  }
0x1: {  	(tag) =	ssettag $0x0;
	lr =	simm.s32 $0x1  }
0x2: {  	[smem:$0x3F9A] =	sst lr;
	_ =	strace $0xD0000000  }
0x3: {  	_ = 	snop  }
0x4: {  	_ = 	snop  }
0x5: {  	_ = 	snop  }
0x6: {  	_ = 	snop  }
0x7: {  	_ = 	snop  }
__scs_overlays_trampoline_lowered:
0x8: {  	[smem:$0x3FA9] =	sst s0  }
0x9: {  	[smem:$0x3FAA] =	sst s1  }
0xa: {  	[smem:$0x3FAB] =	sst s2  }
0xb: {  	[smem:$0x3FAC] =	sst s3  }
0xc: {  	[smem:$0x3FAD] =	sst s4  }
0xd: {  	[smem:$0x3FAE] =	sst s5  }
0xe: {  	[smem:$0x3FAF] =	sst s6  }
0xf: {  	[smem:$0x3FB0] =	sst s7  }
0x10: {  	[smem:$0x3FB1] =	sst s8  }
0x11: {  	[smem:$0x3FB2] =	sst s9;
	s0 =	simm.s32 @!p0 $0x0  }
0x12: {  	s1 =	sld [smem:$0x3F98];
	s0 =	simm.s32 @p0 $0x1  }
0x13: {  	[smem:$0x3FB3] =	sst s0;
	s0 =	simm.s32 @!p1 $0x0  }
0x14: {  	s2 =	sld [smem:$0x3F97];
	s0 =	simm.s32 @p1 $0x1  }
0x15: {  	[smem:$0x3FB4] =	sst s0;
	s0 =	simm.s32 @!p2 $0x0  }
0x16: {  	s3 =	sld [smem:$0x3FDB];
	s0 =	simm.s32 @p2 $0x1  }
0x17: {  	s4 =	simm.s32 $0x1BF5;
	[smem:$0x3FB6] =	sst s0  }
0x18: {  	s0 =	sld [smem:$0x3F99];
	_ =	swait.ge [sflag:s4], $0x0  }
0x19: {  	s7 =	sld [smem:$0x3F9A]  }
0x1a: {  	s8 =	sadd.s32 $0xFFFFE003, lr  }
0x1b: {  	s9 =	sadd.s32 $0xFFFFFEF7, lr;
	s5 =	simm.s32 $0xFFFFFFFF;
	p2 =	slt.u32 s8, $0xFFFFF086  }
0x1c: {  	p1 =	slt.u32 s9, $0xF7A;
	s5 =	simm.s32 @!p2 $0x0  }
0x1d: {  	s5 =	simm.s32 @p1 $0x1;
	p0 =	seq.s32 s7, s2  }
0x1e: {  	s7 =	smul.u32 @!p0 $0xF7A, s2;
	p2 =	seq.s32 @!p0 s5, $0x0  }
0x1f: {  	s9 =	smul.u32 $0xF7A, s1;
	s8 =	simm.s32 @!p0 $0x1BF5;
	p2 =	por !p2, p0  }
0x20: {  	[sflag:s8] =	ssyncset.s32 @!p0 $0xFFFFF086;
	s6 =	sadd.s32 @!p0 s3, s7;
	s7 =	simm.s32 @!p0 $0x108  }
0x21: {  	s3 =	sadd.s32 s3, s9;
	s6 =	sadd.s32 @!p0 $0x88, s6;
	s7 =	simm.s32 @p2 $0x1082  }
0x22: {  	[simem:s7], [sflag:s8] =	dma.local @!p0 [hbm:s6], $0xF7A  }
0x23: {  	s9 =	sor.u32 $0xD0000000, s2;
	s6 =	simm.s32 $0x108;
	_ =	swait.ge @!p0 [sflag:s8], $0x0  }
0x24: {  	s3 =	sadd.s32 $0x88, s3;
	s6 =	simm.s32 @!p1 $0x1082;
	[sflag:s4] =	ssyncset.s32 $0xFFFFF086  }
0x25: {  	[simem:s6], [sflag:s4] =	dma.local [hbm:s3], $0xF7A  }
0x26: {  	[smem:$0x3F9A] =	sst s1;
	(tag) =	ssettag s2;
	_ =	strace s9  }
0x27: {  	s1 =	sld [smem:$0x3FAA]  }
0x28: {  	s2 =	sld [smem:$0x3FAB]  }
0x29: {  	s4 =	sld [smem:$0x3FAD]  }
0x2a: {  	p0 =	seq.s32 s5, $0x0;
	s5 =	sld [smem:$0x3FAE]  }
0x2b: {  	s6 =	sld [smem:$0x3FAF]  }
0x2c: {  	s7 =	sld [smem:$0x3FB0]  }
0x2d: {  	s3 =	simm.s32 $0x108;
	s8 =	sld [smem:$0x3FB1]  }
0x2e: {  	s3 =	simm.s32 @!p0 $0x1082;
	s9 =	sld [smem:$0x3FB2]  }
0x2f: {  	lr =	sadd.s32 s0, s3;
	s0 =	sld [smem:$0x3FA9]  }
0x30: {  	s3 =	sld [smem:$0x3FAC]  }
0x31: {  	[smem:$0x3FB5] =	sst s10  }
0x32: {  	s10 =	sld [smem:$0x3FB3];
	_ =	sdelay $0x3  }
0x33: {  	p0 =	seq.s32 s10, $0x1;
	s10 =	sld [smem:$0x3FB5];
	_ =	sdelay $0x3  }
0x34: {  	[smem:$0x3FB5] =	sst s10  }
0x35: {  	s10 =	sld [smem:$0x3FB4];
	_ =	sdelay $0x3  }
0x36: {  	p1 =	seq.s32 s10, $0x1;
	s10 =	sld [smem:$0x3FB5];
	_ =	sdelay $0x3  }
0x37: {  	[smem:$0x3FB5] =	sst s10  }
0x38: {  	s10 =	sld [smem:$0x3FB6]  }
0x39: {  	_ = 	snop;
	(pc) =	sbr.ind lr, $3  }
0x3a: {  	_ = 	snop  }
0x3b: {  	_ = 	snop  }
0x3c: {  	p2 =	seq.s32 s10, $0x1;
	s10 =	sld [smem:$0x3FB5]  }
0x3d: {  	_ =	shalt  }
0x3e: {  	_ =	shalt  }
0x3f: {  	_ =	shalt  }
0x40: {  	_ =	shalt  }
0x41: {  	_ =	shalt  }
0x42: {  	_ =	shalt  }
0x43: {  	_ =	shalt  }
0x44: {  	_ =	shalt  }
0x45: {  	_ =	shalt  }
0x46: {  	_ =	shalt  }
0x47: {  	_ =	shalt  }
0x48: {  	_ =	shalt  }
0x49: {  	_ =	shalt  }
0x4a: {  	_ =	shalt  }
0x4b: {  	_ =	shalt  }
0x4c: {  	_ =	shalt  }
0x4d: {  	_ =	shalt  }
0x4e: {  	_ =	shalt  }
0x4f: {  	_ =	shalt  }
0x50: {  	_ =	shalt  }
0x51: {  	_ =	shalt  }
0x52: {  	_ =	shalt  }
0x53: {  	_ =	shalt  }
0x54: {  	_ =	shalt  }
0x55: {  	_ =	shalt  }
0x56: {  	_ =	shalt  }
0x57: {  	_ =	shalt  }
0x58: {  	_ =	shalt  }
0x59: {  	_ =	shalt  }
0x5a: {  	_ =	shalt  }
0x5b: {  	_ =	shalt  }
0x5c: {  	_ =	shalt  }
0x5d: {  	_ =	shalt  }
0x5e: {  	_ =	shalt  }
0x5f: {  	_ =	shalt  }
0x60: {  	_ =	shalt  }
0x61: {  	_ =	shalt  }
0x62: {  	_ =	shalt  }
0x63: {  	_ =	shalt  }
0x64: {  	_ =	shalt  }
0x65: {  	_ =	shalt  }
0x66: {  	_ =	shalt  }
0x67: {  	_ =	shalt  }
0x68: {  	_ =	shalt  }
0x69: {  	_ =	shalt  }
0x6a: {  	_ =	shalt  }
0x6b: {  	_ =	shalt  }
0x6c: {  	_ =	shalt  }
0x6d: {  	_ =	shalt  }
0x6e: {  	_ =	shalt  }
0x6f: {  	_ =	shalt  }
0x70: {  	_ =	shalt  }
0x71: {  	_ =	shalt  }
0x72: {  	_ =	shalt  }
0x73: {  	_ =	shalt  }
0x74: {  	_ =	shalt  }
0x75: {  	_ =	shalt  }
0x76: {  	_ =	shalt  }
0x77: {  	_ =	shalt  }
0x78: {  	_ =	shalt  }
0x79: {  	_ =	shalt  }
0x7a: {  	_ =	shalt  }
0x7b: {  	_ =	shalt  }
0x7c: {  	_ =	shalt  }
0x7d: {  	_ =	shalt  }
0x7e: {  	_ =	shalt  }
0x7f: {  	_ =	shalt  }
0x80: {  	_ =	shalt  }
0x81: {  	_ =	shalt  }
0x82: {  	_ =	shalt  }
0x83: {  	_ =	shalt  }
0x84: {  	_ =	shalt  }
0x85: {  	_ =	shalt  }
0x86: {  	_ =	shalt  }
0x87: {  	_ =	shalt  }
.Lfunc_end0:
.L_simem_size_0:
called_computation.1_lowered:
.L_overlay_start_0:
0x88: {  	s2 =	sld [smem:$0x3FD9]  }
0x89: {  	s3 =	sld [smem:$0x3FFE];
	_ =	sdelay $0x1  }
0x8a: {  	s1 =	srdreg.scid  }
0x8b: {  	s0 =	sand.u32 $0x1, s1  }
0x8c: {  	s17 =	sshll.u32 s0, $0xA;
	s2 =	sadd.s32 s3, s2  }
0x8d: {  	s2 =	sadd.s32 s2, s17  }
0x8e: {  	[smem:$0x3FC1] =	sst s2  }
0x8f: {  	_ = 	snop  }
0x90: {  	s2 =	sld [smem:$0x3FC9]  }
0x91: {  	s18 =	sld [smem:$0x3FD0];
	(tm) =	ssettm $0x1  }
0x92: {  	s4 =	sld [smem:$0x3FFB];
	_ =	sdelay $0x3  }
0x93: {  	_ =	strace s4  }
0x94: {  	s4 =	sld [smem:$0x3FFC];
	_ =	sdelay $0x3  }
0x95: {  	_ =	strace s4  }
0x96: {  	s4 =	sld [smem:$0x3FFD];
	_ =	sdelay $0x3  }
0x97: {  	_ =	strace s4  }
0x98: {  	_ =	strace $0x8FFFFFFF  }
0x99: {  	s19 =	sld [smem:$0x3FDB];
	_ =	sdelay $0x1  }
0x9a: {  	s5 =	simm.s32 $_scs_section_size  }
0x9b: {  	s6 =	simm.s32 $_size__tile_overlayer_lowered;
	s7 =	simm.s32 $_tile_overlayer_lowered  }
0x9c: {  	s22 =	simm.s32 $0x1BFF;
	s21 =	sshll.u32 s7, $0x1;
	s4 =	sadd.s32 s5, s19  }
0x9d: {  	s8 =	simm.s32 $0x0;
	s20 =	sshll.u32 s6, $0x1;
	s6 =	sadd.s32 s21, s4  }
0x9e: {  	[timem:s8], [sflag:s22] =	dma.local [hbm:s6], s20  }
0x9f: {  	_ =	swait.ge [sflag:s22], s20  }
0xa0: {  	s5 =	ssub.s32 $0x0, s20;
	[sflag:s22] =	ssyncset.done $0x0  }
0xa1: {  	[sflag:s22] =	ssyncadd.s32 s5;
	_ =	sdelay $0x1  }
0xa2: {  	s23 =	simm.s32 $0x1B8B  }
0xa3: {  	_ =	swait.ge [sflag:s23], $0x1  }
0xa4: {  	[sflag:s23] =	ssyncset.done $0x0  }
0xa5: {  	s25 =	simm.s32 $0x1B8E;
	s24 =	sld [smem:$0x3FFE];
	[sflag:s23] =	ssyncadd.s32 $0xFFFFFFFF  }
0xa6: {  	s26 =	simm.s32 $execute0_lowered;
	[smem:$0x3FD2] =	sst s25  }
0xa7: {  	s6 =	sshll.u32 s26, $0x1;
	_ =	strace $0x80000046;
	[dreg:$0x1] =	wrdreg $0xFFFFFFFF  }
0xa8: {  	s28 =	simm.s32 $_size_execute0_lowered;
	s4 =	sadd.s32 s4, s6;
	[dreg:$0x0] =	wrdreg $0x0  }
0xa9: {  	s6 =	sshll.u32 s28, $0x1;
	[dreg:$0x2] =	wrdreg s4  }
0xaa: {  	[dreg:$0x3] =	wrdreg s6  }
0xab: {  	[dreg:$0x4] =	wrdreg $0xC0  }
0xac: {  	_ =	task [dreg:s8], $0x5FFFF  }
0xad: {  	[dreg:$0x1] =	wrdreg $0xFFFFFFFF  }
0xae: {  	[dreg:$0x0] =	wrdreg $0x60  }
0xaf: {  	[dreg:$0x2] =	wrdreg s18  }
0xb0: {  	[dreg:$0x3] =	wrdreg s2  }
0xb1: {  	[dreg:$0x4] =	wrdreg s24  }
0xb2: {  	[dreg:$0x5] =	wrdreg $0x9  }
0xb3: {  	_ =	task.clear_ibuf [dreg:s8], $0x6FFFF;
	_ =	strace $0x90000046  }
0xb4: {  	s29 =	simm.s32 $0x9;
	_ =	strace $0x80000048  }
0xb5: {  	_ =	swait.ge [sflag:s29], $0x1  }
0xb6: {  	[sflag:s29] =	ssyncadd.s32 $0xFFFFFFFF  }
0xb7: {  	_ =	strace $0x90000048  }
0xb8: {  	_ =	sfence  }
0xb9: {  	s30 =	sld [smem:$0x0];
	_ =	sdelay $0x2  }
0xba: {  	s31 =	sshll.u32 s1, $0xD;
	s1 =	sshrl.u32 s1, $0x2  }
0xbb: {  	s3 =	sand.u32 $0x4000, s31;
	s1 =	sadd.s32 s1, s30  }
0xbc: {  	s0 =	sor.u32 s3, s0;
	s1 =	sshll.u32 s1, $0x11  }
0xbd: {  	s0 =	sor.u32 s1, s0  }
0xbe: {  	s0 =	sadd.s32 $0x8F2B, s0  }
0xbf: {  	[sflag:s0] =	ssyncadd.remote.s32 $0x1  }
0xc0: {  	_ =	sfence.sel $0xFFFF  }
0xc1: {  	[dreg:$0x0] =	wrdreg $0xFFFFFFFF;
	(pc) =	sbr.abs _section_cstart, $3  }
0xc2: {  	[dreg:$0x1] =	wrdreg $0xFFFFFFFF  }
0xc3: {  	_ =	task.clear_ibuf [dreg:s8], $0x2FFFF;
	_ =	strace $0x9FFFFFFF  }
0xc4: {  	(tm) =	ssettm $0x7FFFFFFF  }
0xc5: {  	_ =	shalt  }
tec
execute0_lowered:
.L_overlay_start_1:
0x0: {  	(tag) =	ssettag $0x1  }
0x1: {  	s1 =	rddreg [dreg:$0x0]  }
0x2: {  	s3 =	rddreg [dreg:$0x1]  }
0x3: {  	s2 =	srdreg.scid;
	s0 =	stileid.u32  }
0x4: {  	s5 =	rddreg [dreg:$0x2];
	s4 =	simm.s32 $0x0;
	s13 =	simm.s32 $0x0  }
0x5: {  	s6 =	sand.u32 $0x1, s2;
	s7 =	sshll.u32 s0, $0x1;
	[smem:$0x7FF] =	sst s4  }
0x6: {  	s2 =	rddreg [dreg:$0x3];
	s7 =	sor.u32 s6, s7;
	_ =	strace $0x80000047  }
0x7: {  	v0 =	vimm.s32 $0xFFEDCBA9;
	v1 =	vimm.s32 $0x87654321;
	s6 =	ssub.s32 $0x2, s6;
	s8 =	sshll.u32 s7, $0xC;
	s9 =	smul.u32 $0x7A18, s7  }
0x8: {  	v0 =	vunpack.c.l.s4.s8 v0;
	v1 =	vunpack.c.l.s4.s8 v1;
	s11 =	sshrl.u32 s6, $0x1;
	s7 =	sshll.u32 s7, $0x6;
	s8 =	sadd.s32 s8, s5  }
0x9: {  	s11 =	ssub.s32 s6, s11;
	s10 =	sshrl.u32 s9, $0x3;
	s12 =	sadd.s32 $0x7A18, s9  }
0xa: {  	v4 =	vunpack.c.0.s8.s32 v0;
	v5 =	vunpack.c.0.s8.s32 v1;
	v0 =	vmov s9;
	s9 =	simm.s32 $0x2;
	s10 =	sadd.s32 s10, s5;
	s5 =	sadd.s32 s3, s7  }
0xb: {  	v2 =	vlaneseq.u32;
	vm0 =	vcmask $0x3F3C;
	s7 =	sadd.s32 $0x1A00, s8;
	s8 =	smax.u32 s11, $0x1;
	s11 =	simm.s32 $0xC200  }
0xc: {  	v3 =	vor.u32 $0x80000000, v2;
	v4 =	vcombine.low v5, v4;
	v1 =	vmov s12;
	s12 =	simm.s32 $0x1;
	s6 =	sadd.s32 $0x21A00, s10;
	s10 =	simm.s32 $0x200  }
.LBB2_1:
0xd: {  	[tilespmem:s4], [sflag:$0x2] =	stream.linear.gather [hbm4b:s5+s4], $0x200, $0x38;
	[tilespmem:$0x13C18] =	vst v63  }
0xe: {  	_ =	swait.ge [sflag:s9], $0x200  }
0xf: {  	[sflag:s9] =	ssyncset.done $0x0  }
0x10: {  	[sflag:s9] =	ssyncadd.s32 $0xFFFFFE00  }
0x11: {  	[tilespmem:s10], [sflag:$0x1] =	stream.indirect.gather [hbm4b:s1+s10], $0x40, s4, s10, $0xb8;
	[tilespmem:$0x13C18] =	vst v63  }
0x12: {  	s14 =	simm.s32 $0x8200  }
0x13: {  	[tilespmem:s14], [sflag:$0x2] =	stream.linear.gather [hbm4b:s3+s4], $0x4000, $0x38;
	[tilespmem:$0x13C18] =	vst v63  }
0x14: {  	_ =	swait.ge [sflag:s9], $0x4000  }
0x15: {  	[sflag:s9] =	ssyncset.done $0x0  }
0x16: {  	[sflag:s9] =	ssyncadd.s32 $0xFFFFC000  }
0x17: {  	s15 =	simm.s32 $0x10;
	s16 =	simm.s32 $0x0;
	v5 =	vld [tilespmem:s14+$0x0]  }
.LBB2_2:
0x18: {  	p0 =	sne.s32 s15, $0x3FF0;
	_ =	sdelay $0x3  }
0x19: {  	v5 =	vshll.u32 v5, $0x4  }
0x1a: {  	v6 =	vor.u32 s16, v2;
	s16 =	smov.u32 s15;
	v5 =	vxor.u32 v3, v5  }
0x1b: {  	(xrf1) =	vsort.ascd.msk.u32 $0xffff, v5, v6;
	_ =	sdelay $0xd  }
0x1c: {  	v5, v6, _ =	vpop (xrf1)  }
0x1d: {  	v5 =	vshrl.u32 v5, $0x4  }
0x1e: {  	v7 =	vxor.u32 $0x8000000, v5  }
0x1f: {  	v8 =	vperm.xlane v7, v4;
	_ =	sdelay $0x1  }
0x20: {  	vm2 =	vge.u32 v7, v0;
	vm3 =	vlt.u32 v7, v1;
	vm1 =	vne.s32 v7, v8  }
0x21: {  	vm2 =	vmand vm2, vm3;
	v7 =	vsub.s32 v7, v0;
	vm1 =	vmor vm1, vm0  }
0x22: {  	v5 =	vand.u32 $0x7, v5;
	v7 =	vand.u32 $0xFFFFFFF8, v7;
	vm1 =	vmand vm1, vm2  }
0x23: {  	v5 =	vor.u32 v5, v7;
	_ =	sdelay $0x1  }
.Ltmp0:
0x24: {  	(pc) =	sbr.rel @p0 .LBB2_2-.Ltmp0, $3  }
0x25: {  	_ =	sdelay $0x1  }
0x26: {  	s14 =	sadd.s32 $0x10, s14;
	[tilespmem:v5+s11+$0x0] =	vst.idx.msk vm1, v6  }
0x27: {  	s15 =	sadd.s32 $0x10, s15;
	v5 =	vld [tilespmem:s14+$0x0]  }
0x28: {  	_ =	sdelay $0x3  }
0x29: {  	v5 =	vshll.u32 v5, $0x4  }
0x2a: {  	v6 =	vor.u32 s16, v2;
	v5 =	vxor.u32 v3, v5  }
0x2b: {  	(xrf1) =	vsort.ascd.msk.u32 $0xffff, v5, v6;
	_ =	sdelay $0xd  }
0x2c: {  	v5, v6, _ =	vpop (xrf1)  }
0x2d: {  	v5 =	vshrl.u32 v5, $0x4  }
0x2e: {  	v7 =	vxor.u32 $0x8000000, v5  }
0x2f: {  	v8 =	vperm.xlane v7, v4;
	_ =	sdelay $0x1  }
0x30: {  	vm2 =	vge.u32 v7, v0;
	vm3 =	vlt.u32 v7, v1;
	vm1 =	vne.s32 v7, v8  }
0x31: {  	vm2 =	vmand vm2, vm3;
	v7 =	vsub.s32 v7, v0;
	vm1 =	vmor vm1, vm0  }
0x32: {  	v5 =	vand.u32 $0x7, v5;
	v7 =	vand.u32 $0xFFFFFFF8, v7;
	vm1 =	vmand vm1, vm2  }
0x33: {  	v5 =	vor.u32 v5, v7;
	_ =	sdelay $0x4  }
0x34: {  	[tilespmem:v5+s11+$0x0] =	vst.idx.msk vm1, v6  }
0x35: {  	[hbm4b:s6+s4] =	stream.linear.scatter [tilespmem:s11], [sflag:$0x2], $0x7A18, $0x38;
	[tilespmem:$0x13C18] =	vst v63  }
0x36: {  	_ =	swait.ge [sflag:s9], $0x7A18  }
0x37: {  	[sflag:s9] =	ssyncset.done $0x0  }
0x38: {  	[sflag:s9] =	ssyncadd.s32 $0xFFFF85E8  }
0x39: {  	s13 =	sadd.s32 $0x1, s13;
	_ =	swait.ge [sflag:s12], $0x8000  }
0x3a: {  	p0 =	sne.s32 s13, s8;
	[sflag:s12] =	ssyncset.done $0x0  }
.Ltmp1:
0x3b: {  	[sflag:s12] =	ssyncadd.s32 $0xFFFF8000;
	(pc) =	sbr.rel @p0 .LBB2_1-.Ltmp1, $4  }
0x3c: {  	[hbm4b:s7+s4] =	stream.linear.scatter [tilespmem:s10], [sflag:$0x2], $0x8000, $0x38;
	[tilespmem:$0x13C18] =	vst v63  }
0x3d: {  	_ =	swait.ge [sflag:s9], $0x8000  }
0x3e: {  	[sflag:s9] =	ssyncset.done $0x0  }
0x3f: {  	[sflag:s9] =	ssyncadd.s32 $0xFFFF8000  }
0x40: {  	_ =	sfence.sel $0x180000  }
0x41: {  	[bflag:$0x0] =	sbarrier.arrive $0xFFFF  }
0x42: {  	p0 =	sne.s32 s0, $0x0;
	_ =	strace $0x90000047  }
0x43: {  	s0 =	sadd.s32 @!p0 $0x100000, s2;
	[bflag:$0x2] =	sbarrier.arrive $0xFFFF  }
0x44: {  	[sflag:s0] =	ssyncadd.tile.s32 @!p0 $0x1;
	_ =	shalt  }
.Lfunc_end2:
_tile_overlayer_lowered:
.L_overlay_start_2:
0x45: {  	(tag) =	ssettag $0x2  }
0x46: {  	s0 =	rddreg [dreg:$0x0];
	s2 =	stileid.u32  }
0x47: {  	s1 =	rddreg [dreg:$0x1];
	p0 =	sne.s32 s2, $0x0  }
0x48: {  	s3 =	rddreg [dreg:$0x2];
	[bflag:$0x3] =	sbarrier.arrive $0xFFFF;
	s2 =	simm.s32 @!p0 $0x1C02  }
0x49: {  	[timem:s3], [sflag:s2] =	dma.local @!p0 [hbm:s0], s1  }
0x4a: {  	s0 =	simm.s32 @!p0 $0x2  }
0x4b: {  	_ =	swait.ge @!p0 [sflag:s0], s1  }
0x4c: {  	s1 =	ssub.s32 @!p0 $0x0, s1;
	[sflag:s0] =	ssyncset.done @!p0 $0x0  }
0x4d: {  	[sflag:s0] =	ssyncadd.s32 @!p0 s1  }
0x4e: {  	[bflag:$0x3] =	sbarrier.arrive $0xFFFF  }
0x4f: {  	_ =	shalt  }

// kernel: kernel.8.cloned.1.call-start
scs
__scs_entry_jumppad:
0x0: {  	(pc) =	sbr.rel $0x88, $3  }
0x1: {  	(tag) =	ssettag $0x0;
	lr =	simm.s32 $0x1  }
0x2: {  	[smem:$0x3F9A] =	sst lr;
	_ =	strace $0xD0000000  }
0x3: {  	_ = 	snop  }
0x4: {  	_ = 	snop  }
0x5: {  	_ = 	snop  }
0x6: {  	_ = 	snop  }
0x7: {  	_ = 	snop  }
__scs_overlays_trampoline_lowered:
0x8: {  	[smem:$0x3FA9] =	sst s0  }
0x9: {  	[smem:$0x3FAA] =	sst s1  }
0xa: {  	[smem:$0x3FAB] =	sst s2  }
0xb: {  	[smem:$0x3FAC] =	sst s3  }
0xc: {  	[smem:$0x3FAD] =	sst s4  }
0xd: {  	[smem:$0x3FAE] =	sst s5  }
0xe: {  	[smem:$0x3FAF] =	sst s6  }
0xf: {  	[smem:$0x3FB0] =	sst s7  }
0x10: {  	[smem:$0x3FB1] =	sst s8  }
0x11: {  	[smem:$0x3FB2] =	sst s9;
	s0 =	simm.s32 @!p0 $0x0  }
0x12: {  	s1 =	sld [smem:$0x3F98];
	s0 =	simm.s32 @p0 $0x1  }
0x13: {  	[smem:$0x3FB3] =	sst s0;
	s0 =	simm.s32 @!p1 $0x0  }
0x14: {  	s2 =	sld [smem:$0x3F97];
	s0 =	simm.s32 @p1 $0x1  }
0x15: {  	[smem:$0x3FB4] =	sst s0;
	s0 =	simm.s32 @!p2 $0x0  }
0x16: {  	s3 =	sld [smem:$0x3FDB];
	s0 =	simm.s32 @p2 $0x1  }
0x17: {  	s4 =	simm.s32 $0x1BF5;
	[smem:$0x3FB6] =	sst s0  }
0x18: {  	s0 =	sld [smem:$0x3F99];
	_ =	swait.ge [sflag:s4], $0x0  }
0x19: {  	s7 =	sld [smem:$0x3F9A]  }
0x1a: {  	s8 =	sadd.s32 $0xFFFFE003, lr  }
0x1b: {  	s9 =	sadd.s32 $0xFFFFFEF7, lr;
	s5 =	simm.s32 $0xFFFFFFFF;
	p2 =	slt.u32 s8, $0xFFFFF086  }
0x1c: {  	p1 =	slt.u32 s9, $0xF7A;
	s5 =	simm.s32 @!p2 $0x0  }
0x1d: {  	s5 =	simm.s32 @p1 $0x1;
	p0 =	seq.s32 s7, s2  }
0x1e: {  	s7 =	smul.u32 @!p0 $0xF7A, s2;
	p2 =	seq.s32 @!p0 s5, $0x0  }
0x1f: {  	s9 =	smul.u32 $0xF7A, s1;
	s8 =	simm.s32 @!p0 $0x1BF5;
	p2 =	por !p2, p0  }
0x20: {  	[sflag:s8] =	ssyncset.s32 @!p0 $0xFFFFF086;
	s6 =	sadd.s32 @!p0 s3, s7;
	s7 =	simm.s32 @!p0 $0x108  }
0x21: {  	s3 =	sadd.s32 s3, s9;
	s6 =	sadd.s32 @!p0 $0x88, s6;
	s7 =	simm.s32 @p2 $0x1082  }
0x22: {  	[simem:s7], [sflag:s8] =	dma.local @!p0 [hbm:s6], $0xF7A  }
0x23: {  	s9 =	sor.u32 $0xD0000000, s2;
	s6 =	simm.s32 $0x108;
	_ =	swait.ge @!p0 [sflag:s8], $0x0  }
0x24: {  	s3 =	sadd.s32 $0x88, s3;
	s6 =	simm.s32 @!p1 $0x1082;
	[sflag:s4] =	ssyncset.s32 $0xFFFFF086  }
0x25: {  	[simem:s6], [sflag:s4] =	dma.local [hbm:s3], $0xF7A  }
0x26: {  	[smem:$0x3F9A] =	sst s1;
	(tag) =	ssettag s2;
	_ =	strace s9  }
0x27: {  	s1 =	sld [smem:$0x3FAA]  }
0x28: {  	s2 =	sld [smem:$0x3FAB]  }
0x29: {  	s4 =	sld [smem:$0x3FAD]  }
0x2a: {  	p0 =	seq.s32 s5, $0x0;
	s5 =	sld [smem:$0x3FAE]  }
0x2b: {  	s6 =	sld [smem:$0x3FAF]  }
0x2c: {  	s7 =	sld [smem:$0x3FB0]  }
0x2d: {  	s3 =	simm.s32 $0x108;
	s8 =	sld [smem:$0x3FB1]  }
0x2e: {  	s3 =	simm.s32 @!p0 $0x1082;
	s9 =	sld [smem:$0x3FB2]  }
0x2f: {  	lr =	sadd.s32 s0, s3;
	s0 =	sld [smem:$0x3FA9]  }
0x30: {  	s3 =	sld [smem:$0x3FAC]  }
0x31: {  	[smem:$0x3FB5] =	sst s10  }
0x32: {  	s10 =	sld [smem:$0x3FB3];
	_ =	sdelay $0x3  }
0x33: {  	p0 =	seq.s32 s10, $0x1;
	s10 =	sld [smem:$0x3FB5];
	_ =	sdelay $0x3  }
0x34: {  	[smem:$0x3FB5] =	sst s10  }
0x35: {  	s10 =	sld [smem:$0x3FB4];
	_ =	sdelay $0x3  }
0x36: {  	p1 =	seq.s32 s10, $0x1;
	s10 =	sld [smem:$0x3FB5];
	_ =	sdelay $0x3  }
0x37: {  	[smem:$0x3FB5] =	sst s10  }
0x38: {  	s10 =	sld [smem:$0x3FB6]  }
0x39: {  	_ = 	snop;
	(pc) =	sbr.ind lr, $3  }
0x3a: {  	_ = 	snop  }
0x3b: {  	_ = 	snop  }
0x3c: {  	p2 =	seq.s32 s10, $0x1;
	s10 =	sld [smem:$0x3FB5]  }
0x3d: {  	_ =	shalt  }
0x3e: {  	_ =	shalt  }
0x3f: {  	_ =	shalt  }
0x40: {  	_ =	shalt  }
0x41: {  	_ =	shalt  }
0x42: {  	_ =	shalt  }
0x43: {  	_ =	shalt  }
0x44: {  	_ =	shalt  }
0x45: {  	_ =	shalt  }
0x46: {  	_ =	shalt  }
0x47: {  	_ =	shalt  }
0x48: {  	_ =	shalt  }
0x49: {  	_ =	shalt  }
0x4a: {  	_ =	shalt  }
0x4b: {  	_ =	shalt  }
0x4c: {  	_ =	shalt  }
0x4d: {  	_ =	shalt  }
0x4e: {  	_ =	shalt  }
0x4f: {  	_ =	shalt  }
0x50: {  	_ =	shalt  }
0x51: {  	_ =	shalt  }
0x52: {  	_ =	shalt  }
0x53: {  	_ =	shalt  }
0x54: {  	_ =	shalt  }
0x55: {  	_ =	shalt  }
0x56: {  	_ =	shalt  }
0x57: {  	_ =	shalt  }
0x58: {  	_ =	shalt  }
0x59: {  	_ =	shalt  }
0x5a: {  	_ =	shalt  }
0x5b: {  	_ =	shalt  }
0x5c: {  	_ =	shalt  }
0x5d: {  	_ =	shalt  }
0x5e: {  	_ =	shalt  }
0x5f: {  	_ =	shalt  }
0x60: {  	_ =	shalt  }
0x61: {  	_ =	shalt  }
0x62: {  	_ =	shalt  }
0x63: {  	_ =	shalt  }
0x64: {  	_ =	shalt  }
0x65: {  	_ =	shalt  }
0x66: {  	_ =	shalt  }
0x67: {  	_ =	shalt  }
0x68: {  	_ =	shalt  }
0x69: {  	_ =	shalt  }
0x6a: {  	_ =	shalt  }
0x6b: {  	_ =	shalt  }
0x6c: {  	_ =	shalt  }
0x6d: {  	_ =	shalt  }
0x6e: {  	_ =	shalt  }
0x6f: {  	_ =	shalt  }
0x70: {  	_ =	shalt  }
0x71: {  	_ =	shalt  }
0x72: {  	_ =	shalt  }
0x73: {  	_ =	shalt  }
0x74: {  	_ =	shalt  }
0x75: {  	_ =	shalt  }
0x76: {  	_ =	shalt  }
0x77: {  	_ =	shalt  }
0x78: {  	_ =	shalt  }
0x79: {  	_ =	shalt  }
0x7a: {  	_ =	shalt  }
0x7b: {  	_ =	shalt  }
0x7c: {  	_ =	shalt  }
0x7d: {  	_ =	shalt  }
0x7e: {  	_ =	shalt  }
0x7f: {  	_ =	shalt  }
0x80: {  	_ =	shalt  }
0x81: {  	_ =	shalt  }
0x82: {  	_ =	shalt  }
0x83: {  	_ =	shalt  }
0x84: {  	_ =	shalt  }
0x85: {  	_ =	shalt  }
0x86: {  	_ =	shalt  }
0x87: {  	_ =	shalt  }
.Lfunc_end0:
.L_simem_size_0:
called_computation.2_lowered:
.L_overlay_start_0:
0x88: {  	s2 =	sld [smem:$0x3FD9]  }
0x89: {  	s3 =	sld [smem:$0x3FFE];
	_ =	sdelay $0x1  }
0x8a: {  	s1 =	srdreg.scid  }
0x8b: {  	s0 =	sand.u32 $0x1, s1  }
0x8c: {  	s17 =	sshll.u32 s0, $0xA;
	s2 =	sadd.s32 s3, s2  }
0x8d: {  	s2 =	sadd.s32 s2, s17  }
0x8e: {  	[smem:$0x3FC1] =	sst s2  }
0x8f: {  	_ = 	snop  }
0x90: {  	s2 =	sld [smem:$0x3FC9]  }
0x91: {  	s18 =	sld [smem:$0x3FD0];
	(tm) =	ssettm $0x1  }
0x92: {  	s4 =	sld [smem:$0x3FFB];
	_ =	sdelay $0x3  }
0x93: {  	_ =	strace s4  }
0x94: {  	s4 =	sld [smem:$0x3FFC];
	_ =	sdelay $0x3  }
0x95: {  	_ =	strace s4  }
0x96: {  	s4 =	sld [smem:$0x3FFD];
	_ =	sdelay $0x3  }
0x97: {  	_ =	strace s4  }
0x98: {  	_ =	strace $0x8FFFFFFF  }
0x99: {  	s19 =	sld [smem:$0x3FDB];
	_ =	sdelay $0x1  }
0x9a: {  	s5 =	simm.s32 $_scs_section_size  }
0x9b: {  	s6 =	simm.s32 $_size__tile_overlayer_lowered;
	s7 =	simm.s32 $_tile_overlayer_lowered  }
0x9c: {  	s22 =	simm.s32 $0x1BFF;
	s21 =	sshll.u32 s7, $0x1;
	s4 =	sadd.s32 s5, s19  }
0x9d: {  	s8 =	simm.s32 $0x0;
	s20 =	sshll.u32 s6, $0x1;
	s6 =	sadd.s32 s21, s4  }
0x9e: {  	[timem:s8], [sflag:s22] =	dma.local [hbm:s6], s20  }
0x9f: {  	_ =	swait.ge [sflag:s22], s20  }
0xa0: {  	s5 =	ssub.s32 $0x0, s20;
	[sflag:s22] =	ssyncset.done $0x0  }
0xa1: {  	[sflag:s22] =	ssyncadd.s32 s5;
	_ =	sdelay $0x1  }
0xa2: {  	s23 =	simm.s32 $0x1B8B  }
0xa3: {  	_ =	swait.ge [sflag:s23], $0x1  }
0xa4: {  	[sflag:s23] =	ssyncset.done $0x0  }
0xa5: {  	s25 =	simm.s32 $0x1B8E;
	s24 =	sld [smem:$0x3FFE];
	[sflag:s23] =	ssyncadd.s32 $0xFFFFFFFF  }
0xa6: {  	s26 =	simm.s32 $execute0_lowered;
	[smem:$0x3FD2] =	sst s25  }
0xa7: {  	s6 =	sshll.u32 s26, $0x1;
	_ =	strace $0x80000049;
	[dreg:$0x1] =	wrdreg $0xFFFFFFFF  }
0xa8: {  	s28 =	simm.s32 $_size_execute0_lowered;
	s4 =	sadd.s32 s4, s6;
	[dreg:$0x0] =	wrdreg $0x0  }
0xa9: {  	s6 =	sshll.u32 s28, $0x1;
	[dreg:$0x2] =	wrdreg s4  }
0xaa: {  	[dreg:$0x3] =	wrdreg s6  }
0xab: {  	[dreg:$0x4] =	wrdreg $0xC0  }
0xac: {  	_ =	task [dreg:s8], $0x5FFFF  }
0xad: {  	[dreg:$0x1] =	wrdreg $0xFFFFFFFF  }
0xae: {  	[dreg:$0x0] =	wrdreg $0x60  }
0xaf: {  	[dreg:$0x2] =	wrdreg s18  }
0xb0: {  	[dreg:$0x3] =	wrdreg s2  }
0xb1: {  	[dreg:$0x4] =	wrdreg s24  }
0xb2: {  	[dreg:$0x5] =	wrdreg $0x9  }
0xb3: {  	_ =	task.clear_ibuf [dreg:s8], $0x6FFFF;
	_ =	strace $0x90000049  }
0xb4: {  	s29 =	simm.s32 $0x9;
	_ =	strace $0x8000004B  }
0xb5: {  	_ =	swait.ge [sflag:s29], $0x1  }
0xb6: {  	[sflag:s29] =	ssyncadd.s32 $0xFFFFFFFF  }
0xb7: {  	_ =	strace $0x9000004B  }
0xb8: {  	_ =	sfence  }
0xb9: {  	s30 =	sld [smem:$0x0];
	_ =	sdelay $0x2  }
0xba: {  	s31 =	sshll.u32 s1, $0xD;
	s1 =	sshrl.u32 s1, $0x2  }
0xbb: {  	s3 =	sand.u32 $0x4000, s31;
	s1 =	sadd.s32 s1, s30  }
0xbc: {  	s0 =	sor.u32 s3, s0;
	s1 =	sshll.u32 s1, $0x11  }
0xbd: {  	s0 =	sor.u32 s1, s0  }
0xbe: {  	s0 =	sadd.s32 $0x8F2B, s0  }
0xbf: {  	[sflag:s0] =	ssyncadd.remote.s32 $0x1  }
0xc0: {  	_ =	sfence.sel $0xFFFF  }
0xc1: {  	[dreg:$0x0] =	wrdreg $0xFFFFFFFF;
	(pc) =	sbr.abs _section_cstart, $3  }
0xc2: {  	[dreg:$0x1] =	wrdreg $0xFFFFFFFF  }
0xc3: {  	_ =	task.clear_ibuf [dreg:s8], $0x2FFFF;
	_ =	strace $0x9FFFFFFF  }
0xc4: {  	(tm) =	ssettm $0x7FFFFFFF  }
0xc5: {  	_ =	shalt  }
tec
execute0_lowered:
.L_overlay_start_1:
0x0: {  	(tag) =	ssettag $0x1  }
0x1: {  	s0 =	rddreg [dreg:$0x0]  }
0x2: {  	s1 =	rddreg [dreg:$0x2];
	s3 =	simm.s32 $0x0  }
0x3: {  	s2 =	srdreg.scid;
	s6 =	stileid.u32;
	s28 =	simm.s32 $0x7D00  }
0x4: {  	s29 =	simm.s32 $0x1;
	s2 =	sand.u32 $0x1, s2;
	s4 =	sshll.u32 s6, $0x1  }
0x5: {  	[smem:$0x7FF] =	sst s3;
	s12 =	sadd.s32 $0x21A00, s1;
	s4 =	sor.u32 s2, s4  }
0x6: {  	s5 =	sadd.s32 $0x1A00, s1;
	s9 =	sadd.s32 $0x40400, s1;
	s21 =	smul.u32 $0x1E8480, s4  }
0x7: {  	_ =	strace $0x8000004A;
	[dreg:$0x9] =	wrdreg s5;
	s13 =	smul.u32 $0x7A12, s4  }
0x8: {  	s22 =	ssub.s32 $0x2, s2;
	[dreg:$0xa] =	wrdreg s9;
	s4 =	smul.u32 $0x3D090, s4  }
0x9: {  	s30 =	simm.s32 $0x6;
	[dreg:$0x8] =	wrdreg s12;
	s7 =	sshrl.u32 s22, $0x1  }
0xa: {  	s1 =	ssub.s32 s22, s7;
	s5 =	sshrl.u32 s21, $0x3;
	s4 =	sadd.s32 s0, s4  }
0xb: {  	s1 =	smax.u32 s1, $0x1;
	s23 =	sadd.s32 s0, s5;
	[dreg:$0xb] =	wrdreg s4  }
0xc: {  	s31 =	simm.s32 $0x2;
	[dreg:$0x15] =	wrdreg s1;
	s24 =	sadd.s32 $0x3E8, s23  }
0xd: {  	s8 =	smul.u32 $0xF424, s6;
	s10 =	sadd.s32 $0x7D0, s23;
	[dreg:$0xc] =	wrdreg s24  }
0xe: {  	s25 =	smul.u32 $0x7A12, s2;
	s26 =	sadd.s32 $0xBB8, s23;
	[dreg:$0xd] =	wrdreg s10  }
0xf: {  	s5 =	sadd.s32 s9, s5;
	s7 =	sadd.s32 $0xFA0, s23;
	[dreg:$0xe] =	wrdreg s26  }
0x10: {  	s2 =	smul.u32 $0x3D090, s2;
	s11 =	sadd.s32 $0x3BD08, s5;
	[dreg:$0xf] =	wrdreg s7  }
0x11: {  	s17 =	sadd.s32 $0x7A12, s13;
	s14 =	sadd.s32 $0x3C0F0, s5;
	[dreg:$0x10] =	wrdreg s11  }
0x12: {  	v0 =	vmov s13;
	s13 =	simm.s32 $0x8210;
	s15 =	sadd.s32 $0x3C4D8, s5;
	[dreg:$0x11] =	wrdreg s14  }
0x13: {  	s4 =	sadd.s32 s25, s8;
	s16 =	sadd.s32 $0x3C8C0, s5;
	[dreg:$0x12] =	wrdreg s15  }
0x14: {  	s1 =	simm.s32 $0x8;
	s5 =	sadd.s32 $0x3CCA8, s5;
	[dreg:$0x13] =	wrdreg s16  }
0x15: {  	s8 =	simm.s32 $0x9;
	s4 =	sshll.u32 s4, $0x3;
	[dreg:$0x14] =	wrdreg s5  }
0x16: {  	s0 =	sadd.s32 s4, s0;
	s4 =	sadd.s32 s9, s4;
	s24 =	smul.u32 $0x7A120, s6  }
0x17: {  	s7 =	simm.s32 $0x4;
	s10 =	simm.s32 $0xA;
	s11 =	simm.s32 $0x200  }
0x18: {  	s14 =	simm.s32 $0x8410;
	s5 =	simm.s32 $0x0;
	s21 =	sadd.s32 $0x2328, s0  }
0x19: {  	s22 =	sadd.s32 $0xFA0, s4;
	s23 =	sadd.s32 $0x1F40, s0;
	[dreg:$0x4] =	wrdreg s21  }
0x1a: {  	s25 =	sadd.s32 $0xBB8, s4;
	s18 =	sadd.s32 $0x1B58, s0;
	[dreg:$0x5] =	wrdreg s22  }
.Ltmp0:
0x1b: {  	s19 =	sadd.s32 $0x7D0, s4;
	[dreg:$0x6] =	wrdreg s23;
	(pc) =	sbr.rel .LBB2_1-.Ltmp0, $4  }
0x1c: {  	[dreg:$0x7] =	wrdreg s25;
	s26 =	sadd.s32 s24, s9;
	s21 =	sadd.s32 $0x1770, s0  }
0x1d: {  	s22 =	sadd.s32 $0x3E8, s4;
	s23 =	sadd.s32 $0x1388, s0;
	s24 =	simm.s32 $0x1F40  }
0x1e: {  	s25 =	simm.s32 $0x3E80;
	s0 =	simm.s32 $0x7;
	s9 =	simm.s32 $0x5  }
0x1f: {  	v2 =	vlaneseq.u32;
	v1 =	vmov s17;
	s20 =	sadd.s32 s2, s26;
	s26 =	simm.s32 $0x5DC0;
	s2 =	simm.s32 $0x3  }
.LBB2_12:
0x20: {  	s5 =	rddreg [dreg:$0x16]  }
0x21: {  	s4 =	rddreg [dreg:$0x15];
	s5 =	sadd.s32 $0x1, s5  }
0x22: {  	p0 =	sne.s32 s5, s4  }
.Ltmp1:
0x23: {  	_ = 	snop;
	(pc) =	sbr.rel @!p0 .LBB2_13-.Ltmp1, $1  }
0x24: {  	_ =	sdelay $0x3  }
.LBB2_1:
0x25: {  	s4 =	rddreg [dreg:$0xb]  }
0x26: {  	[tilespmem:s3], [sflag:$0x1] =	stream.linear.gather [hbm4b:s4+s3], $0x1F40, $0x38;
	[tilespmem:$0x10410] =	vst v63  }
0x27: {  	s12 =	rddreg [dreg:$0xc]  }
0x28: {  	[tilespmem:s24], [sflag:$0x2] =	stream.linear.gather [hbm4b:s12+s3], $0x1F40, $0x38;
	[tilespmem:$0x10410] =	vst v63  }
0x29: {  	s15 =	rddreg [dreg:$0xd]  }
0x2a: {  	[tilespmem:s25], [sflag:$0x3] =	stream.linear.gather [hbm4b:s15+s3], $0x1F40, $0x38;
	[tilespmem:$0x10410] =	vst v63  }
0x2b: {  	s16 =	rddreg [dreg:$0xe]  }
0x2c: {  	[tilespmem:s26], [sflag:$0x4] =	stream.linear.gather [hbm4b:s16+s3], $0x1F40, $0x38;
	[tilespmem:$0x10410] =	vst v63  }
0x2d: {  	s17 =	rddreg [dreg:$0xf]  }
0x2e: {  	[tilespmem:s28], [sflag:$0x5] =	stream.linear.gather [hbm4b:s17+s3], $0x1F40, $0x38;
	[tilespmem:$0x10410] =	vst v63  }
0x2f: {  	_ =	swait.ge [sflag:s29], $0x1F40  }
0x30: {  	[sflag:s29] =	ssyncset.done $0x0  }
0x31: {  	s6 =	sadd.s32 $0x0, s20;
	[sflag:s29] =	ssyncadd.s32 $0xFFFFE0C0  }
0x32: {  	[hbm4b:s6+s3] =	stream.linear.scatter [tilespmem:s3], [sflag:$0x6], $0x1F40, $0x38;
	[tilespmem:$0x10410] =	vst v63  }
0x33: {  	_ =	swait.ge [sflag:s30], $0x1F40  }
0x34: {  	[sflag:s30] =	ssyncset.done $0x0  }
0x35: {  	s12 =	sadd.s32 $0x0, s23;
	[sflag:s30] =	ssyncadd.s32 $0xFFFFE0C0  }
0x36: {  	[tilespmem:s3], [sflag:$0x1] =	stream.linear.gather [hbm4b:s12+s3], $0x1F40, $0x38;
	[tilespmem:$0x10410] =	vst v63  }
0x37: {  	_ =	swait.ge [sflag:s31], $0x1F40  }
0x38: {  	[sflag:s31] =	ssyncset.done $0x0  }
0x39: {  	s15 =	sadd.s32 $0x0, s22;
	[sflag:s31] =	ssyncadd.s32 $0xFFFFE0C0  }
0x3a: {  	[hbm4b:s15+s3] =	stream.linear.scatter [tilespmem:s24], [sflag:$0x7], $0x1F40, $0x38;
	[tilespmem:$0x10410] =	vst v63  }
0x3b: {  	_ =	swait.ge [sflag:s0], $0x1F40  }
0x3c: {  	[sflag:s0] =	ssyncset.done $0x0  }
0x3d: {  	s16 =	sadd.s32 $0x0, s21;
	[sflag:s0] =	ssyncadd.s32 $0xFFFFE0C0  }
0x3e: {  	[tilespmem:s24], [sflag:$0x2] =	stream.linear.gather [hbm4b:s16+s3], $0x1F40, $0x38;
	[tilespmem:$0x10410] =	vst v63  }
0x3f: {  	_ =	swait.ge [sflag:s2], $0x1F40  }
0x40: {  	[sflag:s2] =	ssyncset.done $0x0  }
0x41: {  	s17 =	sadd.s32 $0x0, s19;
	[sflag:s2] =	ssyncadd.s32 $0xFFFFE0C0  }
0x42: {  	[hbm4b:s17+s3] =	stream.linear.scatter [tilespmem:s25], [sflag:$0x8], $0x1F40, $0x38;
	[tilespmem:$0x10410] =	vst v63  }
0x43: {  	_ =	swait.ge [sflag:s1], $0x1F40  }
0x44: {  	[sflag:s1] =	ssyncset.done $0x0  }
0x45: {  	s6 =	sadd.s32 $0x0, s18;
	[sflag:s1] =	ssyncadd.s32 $0xFFFFE0C0  }
0x46: {  	[tilespmem:s25], [sflag:$0x3] =	stream.linear.gather [hbm4b:s6+s3], $0x1F40, $0x38;
	[tilespmem:$0x10410] =	vst v63  }
0x47: {  	_ =	swait.ge [sflag:s7], $0x1F40  }
0x48: {  	s12 =	rddreg [dreg:$0x7];
	[sflag:s7] =	ssyncset.done $0x0  }
0x49: {  	[sflag:s7] =	ssyncadd.s32 $0xFFFFE0C0;
	s4 =	sadd.s32 $0x0, s12  }
0x4a: {  	[hbm4b:s4+s3] =	stream.linear.scatter [tilespmem:s26], [sflag:$0x9], $0x1F40, $0x38;
	[tilespmem:$0x10410] =	vst v63  }
0x4b: {  	_ =	swait.ge [sflag:s8], $0x1F40  }
0x4c: {  	s15 =	rddreg [dreg:$0x6];
	[sflag:s8] =	ssyncset.done $0x0  }
0x4d: {  	[sflag:s8] =	ssyncadd.s32 $0xFFFFE0C0;
	s4 =	sadd.s32 $0x0, s15  }
0x4e: {  	[tilespmem:s26], [sflag:$0x4] =	stream.linear.gather [hbm4b:s4+s3], $0x1F40, $0x38;
	[tilespmem:$0x10410] =	vst v63  }
0x4f: {  	_ =	swait.ge [sflag:s9], $0x1F40  }
0x50: {  	s16 =	rddreg [dreg:$0x5];
	[sflag:s9] =	ssyncset.done $0x0  }
0x51: {  	[sflag:s9] =	ssyncadd.s32 $0xFFFFE0C0;
	s4 =	sadd.s32 $0x0, s16  }
0x52: {  	[hbm4b:s4+s3] =	stream.linear.scatter [tilespmem:s28], [sflag:$0xA], $0x1F40, $0x38;
	[tilespmem:$0x10410] =	vst v63  }
0x53: {  	_ =	swait.ge [sflag:s10], $0x1F40  }
0x54: {  	s17 =	rddreg [dreg:$0x4];
	[sflag:s10] =	ssyncset.done $0x0  }
0x55: {  	s16 =	simm.s32 $0x1388;
	[sflag:s10] =	ssyncadd.s32 $0xFFFFE0C0;
	s4 =	sadd.s32 $0x0, s17  }
.LBB2_2:
0x56: {  	[tilespmem:s28], [sflag:$0x5] =	stream.linear.gather [hbm4b:s4+s3], $0x1F40, $0x38;
	[tilespmem:$0x10410] =	vst v63  }
0x57: {  	_ =	swait.ge [sflag:s29], $0x1F40  }
0x58: {  	s17 =	smov.u32 s16;
	[sflag:s29] =	ssyncset.done $0x0  }
0x59: {  	s15 =	sadd.s32 s17, s20;
	[sflag:s29] =	ssyncadd.s32 $0xFFFFE0C0  }
0x5a: {  	[hbm4b:s15+s3] =	stream.linear.scatter [tilespmem:s3], [sflag:$0x6], $0x1F40, $0x38;
	[tilespmem:$0x10410] =	vst v63  }
0x5b: {  	_ =	swait.ge [sflag:s30], $0x1F40  }
0x5c: {  	[sflag:s30] =	ssyncset.done $0x0  }
0x5d: {  	s6 =	sadd.s32 s17, s23;
	[sflag:s30] =	ssyncadd.s32 $0xFFFFE0C0  }
0x5e: {  	[tilespmem:s3], [sflag:$0x1] =	stream.linear.gather [hbm4b:s6+s3], $0x1F40, $0x38;
	[tilespmem:$0x10410] =	vst v63  }
0x5f: {  	_ =	swait.ge [sflag:s31], $0x1F40  }
0x60: {  	[sflag:s31] =	ssyncset.done $0x0  }
0x61: {  	s12 =	sadd.s32 s17, s22;
	[sflag:s31] =	ssyncadd.s32 $0xFFFFE0C0  }
0x62: {  	[hbm4b:s12+s3] =	stream.linear.scatter [tilespmem:s24], [sflag:$0x7], $0x1F40, $0x38;
	[tilespmem:$0x10410] =	vst v63  }
0x63: {  	_ =	swait.ge [sflag:s0], $0x1F40  }
0x64: {  	[sflag:s0] =	ssyncset.done $0x0  }
0x65: {  	s15 =	sadd.s32 s17, s21;
	[sflag:s0] =	ssyncadd.s32 $0xFFFFE0C0  }
0x66: {  	[tilespmem:s24], [sflag:$0x2] =	stream.linear.gather [hbm4b:s15+s3], $0x1F40, $0x38;
	[tilespmem:$0x10410] =	vst v63  }
0x67: {  	_ =	swait.ge [sflag:s2], $0x1F40  }
0x68: {  	[sflag:s2] =	ssyncset.done $0x0  }
0x69: {  	s6 =	sadd.s32 s17, s19;
	[sflag:s2] =	ssyncadd.s32 $0xFFFFE0C0  }
0x6a: {  	[hbm4b:s6+s3] =	stream.linear.scatter [tilespmem:s25], [sflag:$0x8], $0x1F40, $0x38;
	[tilespmem:$0x10410] =	vst v63  }
0x6b: {  	_ =	swait.ge [sflag:s1], $0x1F40  }
0x6c: {  	[sflag:s1] =	ssyncset.done $0x0  }
0x6d: {  	s12 =	sadd.s32 s17, s18;
	[sflag:s1] =	ssyncadd.s32 $0xFFFFE0C0  }
0x6e: {  	[tilespmem:s25], [sflag:$0x3] =	stream.linear.gather [hbm4b:s12+s3], $0x1F40, $0x38;
	[tilespmem:$0x10410] =	vst v63  }
0x6f: {  	_ =	swait.ge [sflag:s7], $0x1F40  }
0x70: {  	s15 =	rddreg [dreg:$0x7];
	[sflag:s7] =	ssyncset.done $0x0  }
0x71: {  	[sflag:s7] =	ssyncadd.s32 $0xFFFFE0C0;
	s4 =	sadd.s32 s17, s15  }
0x72: {  	[hbm4b:s4+s3] =	stream.linear.scatter [tilespmem:s26], [sflag:$0x9], $0x1F40, $0x38;
	[tilespmem:$0x10410] =	vst v63  }
0x73: {  	_ =	swait.ge [sflag:s8], $0x1F40  }
0x74: {  	s6 =	rddreg [dreg:$0x6];
	[sflag:s8] =	ssyncset.done $0x0  }
0x75: {  	[sflag:s8] =	ssyncadd.s32 $0xFFFFE0C0;
	s4 =	sadd.s32 s17, s6  }
0x76: {  	[tilespmem:s26], [sflag:$0x4] =	stream.linear.gather [hbm4b:s4+s3], $0x1F40, $0x38;
	[tilespmem:$0x10410] =	vst v63  }
0x77: {  	_ =	swait.ge [sflag:s9], $0x1F40  }
0x78: {  	p0 =	sne.s32 s16, $0x3A980;
	s12 =	rddreg [dreg:$0x5];
	[sflag:s9] =	ssyncset.done $0x0  }
.Ltmp2:
0x79: {  	[sflag:s9] =	ssyncadd.s32 $0xFFFFE0C0;
	s4 =	sadd.s32 s17, s12;
	(pc) =	sbr.rel @p0 .LBB2_2-.Ltmp2, $4  }
0x7a: {  	[hbm4b:s4+s3] =	stream.linear.scatter [tilespmem:s28], [sflag:$0xA], $0x1F40, $0x38;
	[tilespmem:$0x10410] =	vst v63  }
0x7b: {  	_ =	swait.ge [sflag:s10], $0x1F40  }
0x7c: {  	[sflag:s10] =	ssyncset.done $0x0;
	s15 =	rddreg [dreg:$0x4]  }
0x7d: {  	s16 =	sadd.s32 $0x1388, s16;
	[sflag:s10] =	ssyncadd.s32 $0xFFFFE0C0;
	s4 =	sadd.s32 s17, s15  }
0x7e: {  	[dreg:$0x16] =	wrdreg s5  }
0x7f: {  	[tilespmem:s28], [sflag:$0x5] =	stream.linear.gather [hbm4b:s4+s3], $0x1F40, $0x38;
	[tilespmem:$0x10410] =	vst v63  }
0x80: {  	_ =	swait.ge [sflag:s29], $0x1F40  }
0x81: {  	[sflag:s29] =	ssyncset.done $0x0  }
0x82: {  	s16 =	simm.s32 $0x0;
	s15 =	rddreg [dreg:$0x10];
	[sflag:s29] =	ssyncadd.s32 $0xFFFFE0C0  }
0x83: {  	[hbm4b:s15+s16] =	stream.linear.scatter [tilespmem:s16], [sflag:$0x6], $0x1F40, $0x38;
	[tilespmem:$0x10410] =	vst v63  }
0x84: {  	_ =	swait.ge [sflag:s31], $0x1F40  }
0x85: {  	[sflag:s31] =	ssyncset.done $0x0  }
0x86: {  	s17 =	rddreg [dreg:$0x11];
	[sflag:s31] =	ssyncadd.s32 $0xFFFFE0C0  }
0x87: {  	[hbm4b:s17+s16] =	stream.linear.scatter [tilespmem:s24], [sflag:$0x7], $0x1F40, $0x38;
	[tilespmem:$0x10410] =	vst v63  }
0x88: {  	_ =	swait.ge [sflag:s2], $0x1F40  }
0x89: {  	[sflag:s2] =	ssyncset.done $0x0  }
0x8a: {  	s5 =	rddreg [dreg:$0x12];
	[sflag:s2] =	ssyncadd.s32 $0xFFFFE0C0  }
0x8b: {  	[hbm4b:s5+s16] =	stream.linear.scatter [tilespmem:s25], [sflag:$0x8], $0x1F40, $0x38;
	[tilespmem:$0x10410] =	vst v63  }
0x8c: {  	_ =	swait.ge [sflag:s7], $0x1F40  }
0x8d: {  	[sflag:s7] =	ssyncset.done $0x0  }
0x8e: {  	s6 =	rddreg [dreg:$0x13];
	[sflag:s7] =	ssyncadd.s32 $0xFFFFE0C0  }
0x8f: {  	[hbm4b:s6+s16] =	stream.linear.scatter [tilespmem:s26], [sflag:$0x9], $0x1F40, $0x38;
	[tilespmem:$0x10410] =	vst v63  }
0x90: {  	_ =	swait.ge [sflag:s9], $0x1F40  }
0x91: {  	[sflag:s9] =	ssyncset.done $0x0  }
0x92: {  	s12 =	rddreg [dreg:$0x14];
	[sflag:s9] =	ssyncadd.s32 $0xFFFFE0C0  }
0x93: {  	[hbm4b:s12+s16] =	stream.linear.scatter [tilespmem:s28], [sflag:$0xA], $0x1F40, $0x38;
	[tilespmem:$0x10410] =	vst v63  }
0x94: {  	_ =	swait.ge [sflag:s30], $0x1F40  }
0x95: {  	[sflag:s30] =	ssyncset.done $0x0  }
0x96: {  	[sflag:s30] =	ssyncadd.s32 $0xFFFFE0C0  }
0x97: {  	_ =	swait.ge [sflag:s0], $0x1F40  }
0x98: {  	[sflag:s0] =	ssyncset.done $0x0  }
0x99: {  	[sflag:s0] =	ssyncadd.s32 $0xFFFFE0C0  }
0x9a: {  	_ =	swait.ge [sflag:s1], $0x1F40  }
0x9b: {  	[sflag:s1] =	ssyncset.done $0x0  }
0x9c: {  	[sflag:s1] =	ssyncadd.s32 $0xFFFFE0C0  }
0x9d: {  	_ =	swait.ge [sflag:s8], $0x1F40  }
0x9e: {  	[sflag:s8] =	ssyncset.done $0x0  }
0x9f: {  	[sflag:s8] =	ssyncadd.s32 $0xFFFFE0C0  }
0xa0: {  	_ =	swait.ge [sflag:s10], $0x1F40  }
0xa1: {  	[sflag:s10] =	ssyncset.done $0x0  }
0xa2: {  	[sflag:s10] =	ssyncadd.s32 $0xFFFFE0C0  }
0xa3: {  	s15 =	rddreg [dreg:$0x1]  }
0xa4: {  	[tilespmem:s16], [sflag:$0x2] =	stream.linear.gather [hbm4b:s15+s16], $0x4000, $0x38;
	[tilespmem:$0x10410] =	vst v63  }
0xa5: {  	_ =	swait.ge [sflag:s31], $0x4000  }
0xa6: {  	[sflag:s31] =	ssyncset.done $0x0  }
0xa7: {  	s17 =	simm.s32 $0x0;
	[sflag:s31] =	ssyncadd.s32 $0xFFFFC000  }
0xa8: {  	v7 =	vld [tilespmem:s17+$0x0]  }
0xa9: {  	s5 =	simm.s32 $0x10  }
0xaa: {  	s6 =	simm.s32 $0x20;
	v4 =	vld [tilespmem:s5+$0x0]  }
0xab: {  	v3 =	vld [tilespmem:s6+$0x0];
	_ =	sdelay $0x1  }
0xac: {  	vm0 =	vge.s32 v7, v0;
	vm1 =	vlt.s32 v7, v1  }
0xad: {  	vm0 =	vmand vm0, vm1  }
0xae: {  	vm2 =	vlt.s32 v4, v1;
	vm1 =	vge.s32 v4, v0;
	v5 =	vmpcnt.ones.xlane vm0  }
0xaf: {  	vm3 =	vlt.s32 v3, v1;
	vm1 =	vmand vm1, vm2  }
0xb0: {  	vm2 =	vge.s32 v3, v0;
	v8 =	vmpcnt.ones.xlane vm1;
	v5 =	vxor.u32 $0x80000000, v5  }
0xb1: {  	vm2 =	vmand vm2, vm3;
	(xrf0) =	vmax.scan.msk.u32 $0xffff, v5  }
0xb2: {  	v5 =	vxor.u32 $0x80000000, v8;
	v8 =	vmpcnt.ones.xlane vm2  }
0xb3: {  	(xrf0) =	vmax.scan.msk.u32 $0xffff, v5  }
0xb4: {  	v5 =	vxor.u32 $0x80000000, v8  }
0xb5: {  	s12 =	simm.s32 $0x30  }
0xb6: {  	v6 =	vld [tilespmem:s12+$0x0]  }
0xb7: {  	(xrf0) =	vmax.scan.msk.u32 $0xffff, v5;
	v5, _, _ =	vpop (xrf0)  }
0xb8: {  	(v2sf) =	vpush v5, $0xF  }
0xb9: {  	v9, _, _ =	vpop (xrf0)  }
0xba: {  	(v2sf) =	vpush v9, $0xF  }
0xbb: {  	vm4 =	vlt.s32 v6, v1;
	vm3 =	vge.s32 v6, v0  }
0xbc: {  	vm4 =	vmand vm3, vm4  }
0xbd: {  	v8 =	vmpcnt.ones.xlane vm4  }
0xbe: {  	s15 =	simm.s32 $0x40  }
0xbf: {  	vm0 =	vmmov vm0;
	v9 =	vxor.u32 $0x80000000, v8;
	v8 =	vld [tilespmem:s15+$0x0]  }
0xc0: {  	vm0 =	vmmov vm0  }
0xc1: {  	vm1 =	vmmov vm1;
	vm0 =	vmmov vm0  }
0xc2: {  	vm1 =	vmmov vm1;
	vm5 =	vmmov vm2;
	vm2 =	vmmov vm0  }
0xc3: {  	s17 =	simm.s32 $0x140;
	vm3 =	vmmov vm1;
	vm0 =	vmmov vm5;
	vm1 =	vmmov vm4;
	v5 =	vld [tilespmem:$0x0];
	(xrf0) =	vmax.scan.msk.u32 $0xffff, v9;
	v9, _, _ =	vpop (xrf0)  }
.LBB2_4:
0xc4: {  	s4 =	sshra.s32 s17, $0x2;
	p0 =	sne.s32 s17, $0xFFC0;
	s17 =	sadd.s32 $0x40, s17;
	vm4 =	vge.s32 v8, v0;
	vm5 =	vlt.s32 v8, v1;
	(v2sf) =	vpush v9, $0xF;
	[tilespmem:s16+$0x4000] =	vst.msk vm2, v7;
	v7 =	vmovc v4  }
.Ltmp3:
0xc5: {  	v4 =	vmovc v3;
	v3 =	vmovc v6;
	v6 =	vmov v8;
	vm2 =	vmmov vm3;
	vm4 =	vmand vm4, vm5;
	v8 =	vld [tilespmem:s4+$0x0];
	(pc) =	sbr.rel @p0 .LBB2_4-.Ltmp3, $4  }
0xc6: {  	vm3 =	vmmov vm0;
	vm0 =	vmmov vm1;
	v11 =	vmpcnt.ones.xlane vm4  }
0xc7: {  	vm1 =	vmmov vm4;
	s4 =	spop (v2sf)  }
0xc8: {  	v10 =	vxor.u32 $0x80000000, v11;
	s4 =	sadd.s32 s4, s16  }
0xc9: {  	(xrf0) =	vmax.scan.msk.u32 $0xffff, v10;
	v9, _, _ =	vpop (xrf0);
	s16 =	sadd.s32 $0x80000000, s4  }
0xca: {  	vm4 =	vge.s32 v8, v0;
	vm5 =	vlt.s32 v8, v1  }
0xcb: {  	vm4 =	vmand vm4, vm5  }
0xcc: {  	v10 =	vmpcnt.ones.xlane vm4;
	_ =	sdelay $0x1  }
0xcd: {  	v10 =	vxor.u32 $0x80000000, v10  }
0xce: {  	(xrf0) =	vmax.scan.msk.u32 $0xffff, v10;
	_ =	sdelay $0x2  }
0xcf: {  	(v2sf) =	vpush v9, $0xF  }
0xd0: {  	v61, _, _ =	vpop (xrf0)  }
0xd1: {  	(v2sf) =	vpush v61, $0xF  }
0xd2: {  	v62, _, _ =	vpop (xrf0)  }
0xd3: {  	(v2sf) =	vpush v62, $0xF;
	_ =	sdelay $0x6  }
0xd4: {  	s4 =	spop (v2sf)  }
0xd5: {  	s4 =	sadd.s32 s4, s16  }
0xd6: {  	s4 =	sadd.s32 $0x80000000, s4;
	s5 =	spop (v2sf)  }
0xd7: {  	s5 =	sadd.s32 s5, s4  }
0xd8: {  	s5 =	sadd.s32 $0x80000000, s5;
	s15 =	spop (v2sf)  }
0xd9: {  	s15 =	sadd.s32 s15, s5  }
0xda: {  	s15 =	sadd.s32 $0x80000000, s15;
	s17 =	spop (v2sf)  }
0xdb: {  	s17 =	sadd.s32 s17, s15  }
0xdc: {  	s6 =	sadd.s32 $0x80000000, s17;
	s12 =	spop (v2sf)  }
0xdd: {  	s17 =	sadd.s32 s12, s6  }
0xde: {  	s12 =	sadd.s32 $0x80000000, s17  }
0xdf: {  	s17 =	sand.u32 $0xF, s12  }
0xe0: {  	p1 =	slt.s32 s12, $0x1;
	p0 =	sne.s32 s17, $0x0;
	s17 =	sshra.s32 s12, $0x1F  }
0xe1: {  	vm3 =	vmmov vm3;
	[tilespmem:s16+$0x4000] =	vst.msk vm2, v7;
	vm0 =	vmmov vm0;
	s17 =	sshrl.u32 s17, $0x1C;
	p0 =	por !p1, !p0  }
0xe2: {  	vm1 =	vmmov vm1;
	vm0 =	vmmov vm0;
	s16 =	simm.s32 $0x1;
	[tilespmem:s4+$0x4000] =	vst.msk vm3, v4;
	s17 =	sadd.s32 s17, s12;
	p0 =	por !p0, !p0  }
0xe3: {  	vm1 =	vmmov vm1;
	[tilespmem:s5+$0x4000] =	vst.msk vm0, v3;
	s5 =	sadd.s32 $0x1FF, s12;
	s4 =	sshra.s32 s17, $0x4;
	s16 =	simm.s32 @!p0 $0x0  }
0xe4: {  	vm12 =	vmmov vm1;
	s17 =	ssub.s32 s4, s16;
	s16 =	sand.u32 $0x1FF, s5  }
0xe5: {  	vm11 =	vmmov vm4;
	[tilespmem:s15+$0x4000] =	vst.msk vm12, v6;
	s15 =	sshra.s32 s5, $0x1F;
	p5 =	slt.s32 s5, $0x1;
	p6 =	sne.s32 s16, $0x0  }
0xe6: {  	vm2 =	vmmov vm11;
	s16 =	sshrl.u32 s15, $0x17;
	p0 =	por !p5, !p6  }
0xe7: {  	vm13 =	vmmov vm2;
	s4 =	sadd.s32 s16, s5;
	s5 =	simm.s32 $0x1;
	p0 =	por !p0, !p0  }
0xe8: {  	vm14 =	vmmov vm13;
	s4 =	sshra.s32 s4, $0x9;
	s5 =	simm.s32 @!p0 $0x0  }
0xe9: {  	[tilespmem:s6+$0x4000] =	vst.msk vm14, v8;
	s6 =	sshll.u32 s17, $0x4;
	s16 =	ssub.s32 s4, s5  }
0xea: {  	v4 =	vld [tilespmem:s6+$0x4000];
	s4 =	sadd.s32 $0x10, s6;
	s15 =	sshll.u32 s16, $0x9  }
0xeb: {  	p0 =	sge.s32 s4, s15  }
.Ltmp4:
0xec: {  	s12 =	ssub.s32 s12, s6;
	(pc) =	sbr.rel @p0 .LBB2_8-.Ltmp4, $4  }
0xed: {  	v3 =	vbroadcast v5, $0x0;
	v63 =	vmov s12  }
0xee: {  	vm15 =	vgt.s32 v63, v2  }
0xef: {  	v4 =	vsel vm15, v4, v3  }
0xf0: {  	s12 =	rddreg [dreg:$0x8];
	[tilespmem:s6+$0x4000] =	vst v4  }
0xf1: {  	s4 =	sadd.s32 $0x10, s4  }
0xf2: {  	p0 =	slt.s32 s4, s15  }
.Ltmp5:
0xf3: {  	_ = 	snop;
	(pc) =	sbr.rel @!p0 .LBB2_8-.Ltmp5, $4  }
0xf4: {  	s5 =	sshll.u32 s17, $0x6  }
0xf5: {  	s5 =	sshra.s32 s5, $0x2  }
0xf6: {  	s17 =	sadd.s32 $0x4010, s5  }
0xf7: {  	[tilespmem:s17+$0x0] =	vst v3  }
.LBB2_7:
0xf8: {  	s4 =	sadd.s32 $0x10, s4  }
0xf9: {  	p0 =	slt.s32 s4, s15  }
.Ltmp6:
0xfa: {  	_ = 	snop;
	(pc) =	sbr.rel @p0 .LBB2_7-.Ltmp6, $3  }
0xfb: {  	_ =	sdelay $0x1  }
0xfc: {  	s17 =	sadd.s32 $0x10, s17  }
0xfd: {  	[tilespmem:s17+$0x0] =	vst v3  }
.LBB2_8:
0xfe: {  	p0 =	sgt.s32 s16, $0x0  }
.Ltmp7:
0xff: {  	_ = 	snop;
	(pc) =	sbr.rel @!p0 .LBB2_12-.Ltmp7, $2  }
0x100: {  	_ =	sdelay $0x2  }
0x101: {  	s17 =	simm.s32 $0x0;
	s15 =	simm.s32 $0x4000  }
.LBB2_9:
0x102: {  	v3 =	vmov s15;
	_ =	sdelay $0x3  }
0x103: {  	s4 =	simm.s32 $0x0  }
0x104: {  	s5 =	simm.s32 $0x40;
	v4 =	vld.idx.msk [tilespmem:v3+s4+$0x0 ss:$0x1], $0xffff  }
.LBB2_10:
0x105: {  	p0 =	sne.s32 s5, $0x7C0  }
.Ltmp8:
0x106: {  	_ = 	snop;
	(pc) =	sbr.rel @p0 .LBB2_10-.Ltmp8, $3  }
0x107: {  	_ =	sdelay $0x1  }
0x108: {  	s6 =	sshra.s32 s5, $0x2;
	s5 =	sadd.s32 $0x40, s5  }
0x109: {  	[tilespmem:s4+$0x8010] =	vst v4;
	v4 =	vld.idx.msk [tilespmem:v3+s6+$0x0 ss:$0x1], $0xffff;
	s4 =	smov.u32 s6  }
0x10a: {  	_ =	sdelay $0x3  }
0x10b: {  	s5 =	simm.s32 $0x8010;
	[tilespmem:s4+$0x8010] =	vst v4  }
0x10c: {  	[tilespmem:s13], [sflag:$0x1] =	stream.indirect.gather [hbm4b:s12+s11], $0x1, s5, s11, $0xb8;
	[tilespmem:$0x10410] =	vst v63  }
0x10d: {  	_ =	swait.ge [sflag:s29], $0x200  }
0x10e: {  	[sflag:s29] =	ssyncset.done $0x0  }
0x10f: {  	s6 =	rddreg [dreg:$0x9];
	[sflag:s29] =	ssyncadd.s32 $0xFFFFFE00  }
0x110: {  	[tilespmem:s14], [sflag:$0x1] =	stream.indirect.gather [hbm4b:s6+s11], $0x40, s13, s11, $0xb8;
	[tilespmem:$0x10410] =	vst v63  }
0x111: {  	_ =	swait.ge [sflag:s29], $0x8000  }
0x112: {  	s17 =	sadd.s32 $0x1, s17;
	[sflag:s29] =	ssyncset.done $0x0  }
0x113: {  	p0 =	sne.s32 s17, s16;
	s6 =	rddreg [dreg:$0xa];
	[sflag:s29] =	ssyncadd.s32 $0xFFFF8000  }
0x114: {  	[hbm4b:s6+s11] =	stream.indirect.scatter [tilespmem:s14], [sflag:$0x1], $0x40, s5, s11, $0xb8;
	[tilespmem:$0x10410] =	vst v63  }
.Ltmp9:
0x115: {  	_ = 	snop;
	(pc) =	sbr.rel @p0 .LBB2_9-.Ltmp9, $4  }
.Ltmp10:
0x116: {  	_ = 	snop;
	(pc) =	sbr.rel @!p0 .LBB2_12-.Ltmp10, $4  }
0x117: {  	_ =	swait.ge [sflag:s29], $0x8000  }
0x118: {  	[sflag:s29] =	ssyncset.done $0x0  }
0x119: {  	s15 =	sadd.s32 $0x200, s15;
	[sflag:s29] =	ssyncadd.s32 $0xFFFF8000  }
0x11a: {  	_ = 	snop  }
.LBB2_13:
0x11b: {  	_ =	sfence.sel $0x180000  }
0x11c: {  	[bflag:$0x0] =	sbarrier.arrive $0xFFFF  }
0x11d: {  	_ =	strace $0x9000004A  }
0x11e: {  	s0 =	stileid.u32;
	[bflag:$0x2] =	sbarrier.arrive $0xFFFF  }
0x11f: {  	p0 =	sne.s32 s0, $0x0;
	s0 =	rddreg [dreg:$0x3]  }
0x120: {  	s0 =	sadd.s32 @!p0 $0x100000, s0  }
0x121: {  	[sflag:s0] =	ssyncadd.tile.s32 @!p0 $0x1;
	_ =	shalt  }
.Lfunc_end2:
_tile_overlayer_lowered:
.L_overlay_start_2:
0x122: {  	(tag) =	ssettag $0x2  }
0x123: {  	s0 =	rddreg [dreg:$0x0];
	s2 =	stileid.u32  }
0x124: {  	s1 =	rddreg [dreg:$0x1];
	p0 =	sne.s32 s2, $0x0  }
0x125: {  	s3 =	rddreg [dreg:$0x2];
	[bflag:$0x3] =	sbarrier.arrive $0xFFFF;
	s2 =	simm.s32 @!p0 $0x1C01  }
0x126: {  	[timem:s3], [sflag:s2] =	dma.local @!p0 [hbm:s0], s1  }
0x127: {  	s0 =	simm.s32 @!p0 $0x1  }
0x128: {  	_ =	swait.ge @!p0 [sflag:s0], s1  }
0x129: {  	s1 =	ssub.s32 @!p0 $0x0, s1;
	[sflag:s0] =	ssyncset.done @!p0 $0x0  }
0x12a: {  	[sflag:s0] =	ssyncadd.s32 @!p0 s1  }
0x12b: {  	[bflag:$0x3] =	sbarrier.arrive $0xFFFF  }
0x12c: {  	_ =	shalt  }

// kernel: sparse-core-data-format-call.cloned.1.call-start
scs
called_computation_lowered:
.L_overlay_start_0:
0x0: {  	s2 =	sld [smem:$0x3FD9]  }
0x1: {  	s3 =	sld [smem:$0x3FFE];
	_ =	sdelay $0x1  }
0x2: {  	s1 =	srdreg.scid  }
0x3: {  	s0 =	sand.u32 $0x1, s1  }
0x4: {  	s18 =	sshll.u32 s0, $0xA;
	s2 =	sadd.s32 s3, s2  }
0x5: {  	s2 =	sadd.s32 s2, s18  }
0x6: {  	[smem:$0x3FC1] =	sst s2  }
0x7: {  	_ = 	snop  }
0x8: {  	s2 =	sld [smem:$0x3FD0];
	(tm) =	ssettm $0x1  }
0x9: {  	s19 =	sld [smem:$0x3FFB];
	_ =	sdelay $0x3  }
0xa: {  	_ =	strace s19  }
0xb: {  	s3 =	sld [smem:$0x3FFC];
	_ =	sdelay $0x3  }
0xc: {  	_ =	strace s3  }
0xd: {  	s3 =	sld [smem:$0x3FFD];
	_ =	sdelay $0x3  }
0xe: {  	_ =	strace s3  }
0xf: {  	_ =	strace $0x8FFFFFFF  }
0x10: {  	s20 =	sld [smem:$0x3FDB];
	_ =	sdelay $0x1  }
0x11: {  	s4 =	simm.s32 $_scs_section_size  }
0x12: {  	s5 =	simm.s32 $_size__tile_overlayer_lowered;
	s6 =	simm.s32 $_tile_overlayer_lowered  }
0x13: {  	s23 =	simm.s32 $0x1BFF;
	s22 =	sshll.u32 s6, $0x1;
	s3 =	sadd.s32 s4, s20  }
0x14: {  	s7 =	simm.s32 $0x0;
	s21 =	sshll.u32 s5, $0x1;
	s5 =	sadd.s32 s22, s3  }
0x15: {  	[timem:s7], [sflag:s23] =	dma.local [hbm:s5], s21  }
0x16: {  	_ =	swait.ge [sflag:s23], s21  }
0x17: {  	s4 =	ssub.s32 $0x0, s21;
	[sflag:s23] =	ssyncset.done $0x0  }
0x18: {  	[sflag:s23] =	ssyncadd.s32 s4;
	_ =	sdelay $0x1  }
0x19: {  	s24 =	simm.s32 $0x1B8B  }
0x1a: {  	_ =	swait.ge [sflag:s24], $0x1  }
0x1b: {  	[sflag:s24] =	ssyncset.done $0x0  }
0x1c: {  	s26 =	simm.s32 $0x1B8E;
	s25 =	sld [smem:$0x3FFE];
	[sflag:s24] =	ssyncadd.s32 $0xFFFFFFFF  }
0x1d: {  	s27 =	simm.s32 $execute0_lowered;
	[smem:$0x3FD2] =	sst s26  }
0x1e: {  	s5 =	sshll.u32 s27, $0x1;
	_ =	strace $0x8000004C;
	[dreg:$0x1] =	wrdreg $0xFFFFFFFF  }
0x1f: {  	s28 =	simm.s32 $_size_execute0_lowered;
	s3 =	sadd.s32 s3, s5;
	[dreg:$0x0] =	wrdreg $0x0  }
0x20: {  	s5 =	sshll.u32 s28, $0x1;
	[dreg:$0x2] =	wrdreg s3  }
0x21: {  	[dreg:$0x3] =	wrdreg s5  }
0x22: {  	[dreg:$0x4] =	wrdreg $0xC0  }
0x23: {  	_ =	task [dreg:s7], $0x5FFFF  }
0x24: {  	[dreg:$0x1] =	wrdreg $0xFFFFFFFF  }
0x25: {  	[dreg:$0x0] =	wrdreg $0x60  }
0x26: {  	[dreg:$0x2] =	wrdreg s25  }
0x27: {  	[dreg:$0x3] =	wrdreg s2  }
0x28: {  	[dreg:$0x4] =	wrdreg $0x9  }
0x29: {  	_ =	task.clear_ibuf [dreg:s7], $0x5FFFF;
	_ =	strace $0x9000004C  }
0x2a: {  	s29 =	simm.s32 $0x9;
	_ =	strace $0x8000004E  }
0x2b: {  	_ =	swait.ge [sflag:s29], $0x1  }
0x2c: {  	[sflag:s29] =	ssyncadd.s32 $0xFFFFFFFF  }
0x2d: {  	_ =	strace $0x9000004E  }
0x2e: {  	_ =	sfence  }
0x2f: {  	s30 =	sld [smem:$0x0];
	_ =	sdelay $0x2  }
0x30: {  	s31 =	sshll.u32 s1, $0xD;
	s1 =	sshrl.u32 s1, $0x2  }
0x31: {  	s3 =	sand.u32 $0x4000, s31;
	s1 =	sadd.s32 s1, s30  }
0x32: {  	s0 =	sor.u32 s3, s0;
	s1 =	sshll.u32 s1, $0x11  }
0x33: {  	s0 =	sor.u32 s1, s0  }
0x34: {  	s0 =	sadd.s32 $0x8F2B, s0  }
0x35: {  	[sflag:s0] =	ssyncadd.remote.s32 $0x1  }
0x36: {  	_ =	sfence.sel $0xFFFF  }
0x37: {  	[dreg:$0x0] =	wrdreg $0xFFFFFFFF;
	(pc) =	sbr.abs _section_cstart, $3  }
0x38: {  	[dreg:$0x1] =	wrdreg $0xFFFFFFFF  }
0x39: {  	_ =	task.clear_ibuf [dreg:s7], $0x2FFFF;
	_ =	strace $0x9FFFFFFF  }
0x3a: {  	(tm) =	ssettm $0x7FFFFFFF  }
0x3b: {  	_ =	shalt  }
tec
execute0_lowered:
.L_overlay_start_1:
0x0: {  	(tag) =	ssettag $0x1  }
0x1: {  	s4 =	rddreg [dreg:$0x0]  }
0x2: {  	s0 =	srdreg.scid;
	s2 =	rddreg [dreg:$0x1]  }
0x3: {  	s1 =	stileid.u32;
	s5 =	simm.s32 $0x1;
	s0 =	sshll.u32 s0, $0x4  }
0x4: {  	s7 =	simm.s32 $0x2;
	s11 =	simm.s32 $0x0;
	s3 =	sand.u32 $0x10, s0  }
.Ltmp0:
0x5: {  	p0 =	por $0x0, $0x0;
	s3 =	sor.u32 s1, s3;
	(pc) =	sbr.rel .LBB1_1-.Ltmp0, $4  }
0x6: {  	s8 =	simm.s32 $0x7A1400;
	s10 =	simm.s32 $0x0;
	s3 =	sshll.u32 s3, $0x7  }
0x7: {  	s0 =	rddreg [dreg:$0x2];
	_ =	strace $0x8000004D;
	s6 =	ssub.s32 $0xF4200, s3  }
0x8: {  	s4 =	sadd.s32 $0x7E1600, s4;
	[sflag:s5] =	ssyncpa.u1 $0x0;
	s6 =	sshrl.u32 s6, $0xC  }
0x9: {  	[sflag:s7] =	ssyncpa.u1 $0x0;
	s9 =	smov.u32 s3;
	s7 =	sadd.s32 $0x2, s6  }
.LBB1_5:
0xa: {  	s13 =	sadd.s32 $0x1000, s9  }
0xb: {  	p2 =	sgt.s32 s13, $0xF423F  }
0xc: {  	s13 =	smov.u32 @p2 s3;
	p2 =	sne.s32 s10, s7  }
.Ltmp1:
0xd: {  	p1 =	slt.u32 s10, $0x2;
	(pc) =	sbr.rel @!p2 .LBB1_6-.Ltmp1, $4  }
0xe: {  	s12 =	simm.s32 @!p1 $0x2  }
0xf: {  	s14 =	sadd.s32 $0x1, s10;
	_ =	swait.ge @!p1 [sflag:s12], $0x2000  }
0x10: {  	s11 =	smov.u32 s9;
	p0 =	por !p0, !p0;
	[sflag:s12] =	ssyncset.done @!p1 $0x0  }
0x11: {  	s10 =	smov.u32 s14;
	s9 =	smov.u32 s13;
	[sflag:s12] =	ssyncadd.s32 @!p1 $0xFFFFE000  }
.LBB1_1:
0x12: {  	p1 =	sgt.u32 s10, s6  }
0x13: {  	s13 =	smov.u32 s9;
	p2 =	sgt.s32 @!p1 s9, $0xF41C0  }
0x14: {  	s12 =	sand.u32 @!p1 $0x1FFFFFF, s9;
	s14 =	sshra.s32 @!p1 s9, $0x1F;
	p2 =	por !p2, p1  }
0x15: {  	s15 =	smulhi.u32 @!p1 $0x218DEF5, s12;
	s14 =	sand.u32 @!p1 s14, s9;
	s13 =	simm.s32 @p2 $0xF41C0  }
0x16: {  	s13 =	ssub.s32 @!p1 s13, s14  }
0x17: {  	s14 =	sshrl.u32 @!p1 s15, $0xD;
	s13 =	sadd.s32 @!p1 $0xFFF0BE40, s13  }
0x18: {  	s15 =	sxor.u32 @!p1 $0xFFFFFFFF, s10;
	s14 =	smul.u32 @!p1 $0xF4240, s14;
	s16 =	sshll.u32 @!p1 s13, $0x8  }
0x19: {  	s15 =	sshll.u32 @!p1 s15, $0xD;
	p2 =	sgt.s32 @!p1 s13, $0x7F;
	s13 =	ssub.s32 @!p1 $0x8000, s16  }
0x1a: {  	s12 =	ssub.s32 @!p1 s12, s14;
	p2 =	por !p2, p1;
	s14 =	sand.u32 @!p1 $0x2000, s15  }
0x1b: {  	s15 =	simm.s32 @!p1 $0x40;
	s13 =	sshrl.u32 @!p1 s13, $0x2;
	s12 =	sshll.u32 @!p1 s12, $0x4  }
0x1c: {  	s16 =	simm.s32 @!p1 $0x80;
	s13 =	simm.s32 @!p2 $0x0;
	s12 =	sadd.s32 @!p1 s4, s12  }
0x1d: {  	[tilespmem:s14], [sflag:$0x1] =	stream.strided.gather @!p1 [hbm4b:s12+s15], s13, s16, s15, $0x38;
	[tilespmem:$0x8080] =	vst v63  }
0x1e: {  	p1 =	seq.s32 s10, $0x0  }
0x1f: {  	p2 =	sge.u32 @!p1 s10, s7  }
0x20: {  	p1 =	por p1, p2  }
.Ltmp2:
0x21: {  	_ = 	snop;
	(pc) =	sbr.rel @p1 .LBB1_5-.Ltmp2, $1  }
0x22: {  	_ =	sdelay $0x3  }
0x23: {  	p1 =	sgt.s32 s11, $0xF41C0;
	s12 =	smov.u32 s11;
	s13 =	sshra.s32 s11, $0x1F  }
0x24: {  	s12 =	simm.s32 @!p1 $0xF41C0;
	s13 =	sand.u32 s13, s11  }
0x25: {  	s12 =	ssub.s32 s12, s13  }
0x26: {  	s12 =	sadd.s32 $0xFFF0BE40, s12  }
0x27: {  	s28 =	sshll.u32 s12, $0x8  }
0x28: {  	s13 =	ssub.s32 $0x8000, s28  }
0x29: {  	p1 =	sgt.s32 s12, $0x7F;
	s12 =	sshrl.u32 s13, $0x2  }
0x2a: {  	s13 =	simm.s32 $0x1;
	s12 =	simm.s32 @p1 $0x0  }
0x2b: {  	s13 =	simm.s32 @!p0 $0x0;
	_ =	swait.ge [sflag:s5], s12  }
0x2c: {  	s14 =	sshll.u32 s13, $0xD;
	s12 =	ssub.s32 $0x0, s12;
	[sflag:s5] =	ssyncset.done $0x0  }
0x2d: {  	s16 =	sor.u32 $0x20, s14;
	[sflag:s5] =	ssyncadd.s32 s12  }
0x2e: {  	s29 =	smul.u32 $0x8100, s13;
	v3 =	vld [tilespmem:s16+$0x10]  }
0x2f: {  	s30 =	sand.u32 $0x1, s10;
	v2 =	vld [tilespmem:s16+$0xFFFFFFF0]  }
0x30: {  	s13 =	smul.u32 $0x8100, s30;
	s12 =	sshrl.u32 s29, $0x2;
	v0 =	vld [tilespmem:s16+$0x0]  }
0x31: {  	s14 =	sor.u32 $0x4000, s12;
	v1 =	vld [tilespmem:s16+$0xFFFFFFE0]  }
0x32: {  	s31 =	sshrl.u32 s13, $0x2;
	s13 =	sadd.s32 $0x0, s14  }
0x33: {  	s15 =	simm.s32 $0x4;
	s12 =	sor.u32 $0x4000, s31;
	s16 =	sadd.s32 $0x40, s16;
	[tilespmem:s13+$0x1830 ss:$0x81] =	vst.msk $0xffff, v3  }
.LBB1_3:
0x34: {  	v3 =	vld [tilespmem:s16+$0x10];
	p1 =	sne.s32 s15, $0x1FC;
	[tilespmem:s13+$0x810 ss:$0x81] =	vst.msk $0xffff, v2;
	s17 =	smov.u32 s15;
	s15 =	sadd.s32 $0x4, s15  }
.Ltmp3:
0x35: {  	v2 =	vld [tilespmem:s16+$0xFFFFFFF0];
	[tilespmem:s13+$0x1020 ss:$0x81] =	vst.msk $0xffff, v0;
	(pc) =	sbr.rel @p1 .LBB1_3-.Ltmp3, $4  }
0x36: {  	v0 =	vld [tilespmem:s16+$0x0];
	[tilespmem:s13+$0x0 ss:$0x81] =	vst.msk $0xffff, v1  }
0x37: {  	s13 =	sshra.s32 s17, $0x2;
	v1 =	vld [tilespmem:s16+$0xFFFFFFE0]  }
0x38: {  	s13 =	sadd.s32 s13, s14  }
0x39: {  	s16 =	sadd.s32 $0x40, s16;
	[tilespmem:s13+$0x1830 ss:$0x81] =	vst.msk $0xffff, v3  }
0x3a: {  	s14 =	sshll.u32 s11, $0x3  }
0x3b: {  	s30 =	sand.u32 $0x7F, s11;
	s14 =	sand.u32 $0xFFFFFC00, s14  }
0x3c: {  	s11 =	sor.u32 s30, s14  }
0x3d: {  	s15 =	smulhi.u32 $0x218D6287, s11;
	_ =	sdelay $0x1  }
0x3e: {  	s14 =	smulhi.u32 $0x218D6287, s14;
	s15 =	sshrl.u32 s15, $0x11  }
0x3f: {  	s15 =	smul.u32 $0xF4280, s15  }
0x40: {  	s14 =	sshrl.u32 s14, $0x11  }
.Ltmp4:
0x41: {  	s14 =	sand.u32 $0x3F, s14;
	s11 =	ssub.s32 s11, s15;
	(pc) =	sbr.rel .LBB1_5-.Ltmp4, $4  }
0x42: {  	[tilespmem:s13+$0x810 ss:$0x81] =	vst.msk $0xffff, v2;
	s14 =	smul.u32 $0x1E850, s14;
	s15 =	sshrl.u32 s11, $0x3;
	s11 =	sand.u32 $0x7, s11  }
0x43: {  	[tilespmem:s13+$0x1020 ss:$0x81] =	vst.msk $0xffff, v0;
	s15 =	sadd.s32 s2, s15;
	s11 =	sshll.u32 s11, $0x12  }
0x44: {  	[tilespmem:s13+$0x0 ss:$0x81] =	vst.msk $0xffff, v1;
	s31 =	sadd.s32 s14, s15;
	s11 =	sor.u32 $0x400, s11  }
0x45: {  	[hbm4b:s31+s11] =	stream.strided.scatter [tilespmem:s12], [sflag:$0x2], $0x2000, s8, s11, $0x20;
	[tilespmem:$0x8080] =	vst v63  }
.LBB1_6:
0x46: {  	_ =	sfence.sel $0x180000  }
0x47: {  	s2 =	simm.s32 $0x1;
	[bflag:$0x0] =	sbarrier.arrive $0xFFFF  }
0x48: {  	s31 =	simm.s32 $0x2;
	[sflag:s2] =	ssyncpa.u1 $0x1  }
0x49: {  	[sflag:s31] =	ssyncpa.u1 $0x1  }
0x4a: {  	p0 =	sne.s32 s1, $0x0;
	_ =	strace $0x9000004D  }
0x4b: {  	s0 =	sadd.s32 @!p0 $0x100000, s0;
	[bflag:$0x2] =	sbarrier.arrive $0xFFFF  }
0x4c: {  	[sflag:s0] =	ssyncadd.tile.s32 @!p0 $0x1;
	_ =	shalt  }
.Lfunc_end1:
_tile_overlayer_lowered:
.L_overlay_start_2:
0x4d: {  	(tag) =	ssettag $0x2  }
0x4e: {  	s0 =	rddreg [dreg:$0x0];
	s2 =	stileid.u32  }
0x4f: {  	s1 =	rddreg [dreg:$0x1];
	p0 =	sne.s32 s2, $0x0  }
0x50: {  	s3 =	rddreg [dreg:$0x2];
	[bflag:$0x3] =	sbarrier.arrive $0xFFFF;
	s2 =	simm.s32 @!p0 $0x1C01  }
0x51: {  	[timem:s3], [sflag:s2] =	dma.local @!p0 [hbm:s0], s1  }
0x52: {  	s0 =	simm.s32 @!p0 $0x1  }
0x53: {  	_ =	swait.ge @!p0 [sflag:s0], s1  }
0x54: {  	s1 =	ssub.s32 @!p0 $0x0, s1;
	[sflag:s0] =	ssyncset.done @!p0 $0x0  }
0x55: {  	[sflag:s0] =	ssyncadd.s32 @!p0 s1  }
0x56: {  	[bflag:$0x3] =	sbarrier.arrive $0xFFFF  }
0x57: {  	_ =	shalt  }

</sc_bundles>
